<compile_context>
chip_gen: v7x
topology: tpu7x:2x2x1
jax: 0.10.2.dev20260603
libtpu: 0.0.44.dev20260713+nightly
codegen_flags: <defaults>
</compile_context>

<pallas_src>
import functools

import jax
import jax.numpy as jnp
from jax import lax
from jax.experimental import pallas as pl
from jax.experimental.pallas import tpu as pltpu
from jax.experimental.pallas import tpu_sc as plsc

BATCH = 4096
FIELDS = 26
VOCAB = 100000
DIM = 32

NUM_CORES = 2
NUM_SUBCORES = 16
LANES = 16
NW = NUM_CORES * NUM_SUBCORES
UNITS = FIELDS * DIM
UNITS_PER_W = UNITS // NW

VMAIN = (VOCAB // 128) * 128
HALF = 50048
BOUNDS0 = [0, 12544, 25088, 37632, HALF]
BOUNDS1 = [HALF, 62592, 75136, 87680, VMAIN]
B1LEN = VMAIN - HALF
HBUF = B1LEN + 128

_mesh = plsc.VectorSubcoreMesh(core_axis_name="c", subcore_axis_name="s")


@functools.partial(
    pl.kernel,
    mesh=_mesh,
    out_type=jax.ShapeDtypeStruct((UNITS, BATCH), jnp.float32),
    scratch_types=[
        pltpu.VMEM((HALF,), jnp.float32),
        pltpu.VMEM((HBUF,), jnp.float32),
        pltpu.VMEM((BATCH,), jnp.int32),
        pltpu.VMEM((2, BATCH), jnp.float32),
        pltpu.SemaphoreType.DMA,
        pltpu.SemaphoreType.DMA,
        pltpu.SemaphoreType.DMA,
    ],
    compiler_params=pltpu.CompilerParams(
        use_tc_tiling_on_sc=True, needs_layout_passes=False
    ),
)
def _gather_kernel(
    idx_hbm, tab_hbm, tail_hbm, out_hbm, h0_v, h1_v, idx_v, o_v,
    sem0, sem1, osem,
):
    wid = lax.axis_index("s") * NUM_CORES + lax.axis_index("c")

    def half0_copies(u):
        f = u // DIM
        e = u % DIM
        return [
            pltpu.make_async_copy(
                tab_hbm.at[f, e, pl.ds(st, en - st)],
                h0_v.at[pl.ds(st, en - st)],
                sem0,
            )
            for st, en in zip(BOUNDS0[:-1], BOUNDS0[1:])
        ]

    def half1_copies(u):
        f = u // DIM
        e = u % DIM
        cps = [
            pltpu.make_async_copy(
                tab_hbm.at[f, e, pl.ds(st, en - st)],
                h1_v.at[pl.ds(st - HALF, en - st)],
                sem1,
            )
            for st, en in zip(BOUNDS1[:-1], BOUNDS1[1:])
        ]
        cps.append(
            pltpu.make_async_copy(
                tail_hbm.at[f, e], h1_v.at[pl.ds(B1LEN, 128)], sem1
            )
        )
        return cps

    u0 = wid * UNITS_PER_W
    for cp in half0_copies(u0):
        cp.start()
    for cp in half1_copies(u0):
        cp.start()

    @pl.loop(0, UNITS_PER_W)
    def _unit(k):
        u = u0 + k
        e = u % DIM
        b = k % 2

        @pl.when((k == 0) | (e == 0))
        def _():
            pltpu.sync_copy(idx_hbm.at[u // DIM], idx_v)

        @pl.when(k >= 2)
        def _():
            pltpu.make_async_copy(o_v.at[b], out_hbm.at[u], osem).wait()

        for cp in half0_copies(u):
            cp.wait()

        @pl.loop(0, BATCH // LANES, unroll=8)
        def _g0(g):
            sl = pl.ds(g * LANES, LANES)
            iv = idx_v[sl]
            o_v[b, sl] = plsc.load_gather(h0_v, [jnp.minimum(iv, HALF - 1)])

        @pl.when(k + 1 < UNITS_PER_W)
        def _():
            for cp in half0_copies(u + 1):
                cp.start()

        for cp in half1_copies(u):
            cp.wait()

        @pl.loop(0, BATCH // LANES, unroll=8)
        def _g1(g):
            sl = pl.ds(g * LANES, LANES)
            iv = idx_v[sl]
            hi = plsc.load_gather(
                h1_v, [jnp.maximum(iv - HALF, 0)]
            )
            o_v[b, sl] = jnp.where(iv >= HALF, hi, o_v[b, sl])

        @pl.when(k + 1 < UNITS_PER_W)
        def _():
            for cp in half1_copies(u + 1):
                cp.start()

        pltpu.make_async_copy(o_v.at[b], out_hbm.at[u], osem).start()

    for t in range(2):
        pltpu.make_async_copy(
            o_v.at[t], out_hbm.at[u0 + t], osem
        ).wait()


def kernel(indices, tables):
    idx_t = indices.astype(jnp.int32).T
    tab_t = jnp.transpose(tables, (0, 2, 1))
    tail = jnp.pad(tab_t[:, :, VMAIN:], ((0, 0), (0, 0), (0, 96)))
    out = _gather_kernel(idx_t, tab_t, tail)
    return out.T.reshape(BATCH, FIELDS * DIM)

# --- scband reference (transcript-rebuilt; emitter-appended) ---
"""Pipeline reference for scband-base-features-layer-87213605912819 (READ-ONLY COPY).

The authoritative reference and input builder live on the scoring server;
editing this copy changes nothing except your own understanding.
"""

import jax, jax.numpy as jnp
import numpy as np

BATCH = 4096
NUM_FIELDS = 26
VOCAB = 100000
EMBED_DIM = 32

def setup_inputs(seed: int = 0) -> dict:
    key = jax.random.key(seed)
    k_idx, k_tab = jax.random.split(key)
    # forward arg: one sparse id per feature column per example
    indices = jax.random.randint(k_idx, (BATCH, NUM_FIELDS), 0, VOCAB, dtype=jnp.int64)
    # learned state: one embedding table per feature column (stacked)
    tables = jax.random.normal(k_tab, (NUM_FIELDS, VOCAB, EMBED_DIM), dtype=jnp.float32) * 0.05
    return {"indices": indices, "tables": tables}

def reference(indices, tables):
    # DenseFeatures semantics: for each feature column, embed its ids
    # (get_dense_tensor -> embedding gather), reshape each column output to
    # [batch, num_elements], then concat all column outputs along the last axis.
    field_ids = jnp.arange(NUM_FIELDS, dtype=indices.dtype)[None, :]  # [1, F]
    # per-field gather: tables[f][indices[b, f]] -> [B, F, D]
    gathered = tables[field_ids, indices]
    # _process_dense_tensor reshape + _verify_and_concat_tensors concat(-1)
    out = jnp.reshape(gathered, (indices.shape[0], NUM_FIELDS * EMBED_DIM))
    return out

if __name__ == "__main__":
    import jax
    _d = setup_inputs()
    print(jax.jit(kernel)(*tuple(_d.values())))

</pallas_src>

<mosaic_0001>
#map = affine_map<(d0, d1) -> (0, 0)>
#map1 = affine_map<(d0, d1) -> (0, 0, 0)>
module attributes {stable_mosaic.version = 14 : i64} {
  func.func @_gather_kernel(%arg0: i32, %arg1: i32, %arg2: memref<26x4096xi32, #tpu.memory_space<hbm>>, %arg3: memref<26x32x100000xf32, #tpu.memory_space<hbm>>, %arg4: memref<26x32x128xf32, #tpu.memory_space<hbm>>, %arg5: memref<832x4096xf32, #tpu.memory_space<hbm>>, %arg6: memref<50048xf32, #tpu.memory_space<vmem>>, %arg7: memref<50048xf32, #tpu.memory_space<vmem>>, %arg8: memref<4096xi32, #tpu.memory_space<vmem>>, %arg9: memref<2x4096xf32, #tpu.memory_space<vmem>>, %arg10: memref<!tpu.dma_semaphore, #tpu.memory_space<semaphore_mem>>, %arg11: memref<!tpu.dma_semaphore, #tpu.memory_space<semaphore_mem>>, %arg12: memref<!tpu.dma_semaphore, #tpu.memory_space<semaphore_mem>>) attributes {dimension_semantics = [#tpu.dimension_semantics<core_parallel>, #tpu.dimension_semantics<subcore_parallel>], iteration_bounds = array<i64: 2, 16>, scalar_prefetch = 0 : i64, scratch_operands = 7 : i64, tpu.core_type = #tpu.core_type<sc_vector_subcore>, window_params = [{transform_indices = #map}, {transform_indices = #map1}, {transform_indices = #map1}, {transform_indices = #map}]} {
    %mul3A = arith.constant 2 : i32
    %mul3A_0 = arith.muli %arg1, %mul3A : i32
    %add3A = arith.addi %mul3A_0, %arg0 : i32
    %mul3A_1 = arith.constant 26 : i32
    %mul3A_2 = arith.muli %add3A, %mul3A_1 : i32
    %jit3A = arith.constant 32 : i32
    %div3A = arith.divsi %mul3A_2, %jit3A : i32
    %sign3A = arith.constant 0 : i32
    %sign3A_3 = arith.cmpi sgt, %mul3A_2, %sign3A : i32
    %sign3A_4 = arith.extui %sign3A_3 : i1 to i32
    %sign3A_5 = arith.constant 0 : i32
    %sign3A_6 = arith.cmpi slt, %mul3A_2, %sign3A_5 : i32
    %sign3A_7 = arith.extui %sign3A_6 : i1 to i32
    %sign3A_8 = arith.subi %sign3A_4, %sign3A_7 : i32
    %sign3A_9 = arith.constant 0 : i32
    %sign3A_10 = arith.cmpi sgt, %jit3A, %sign3A_9 : i32
    %sign3A_11 = arith.extui %sign3A_10 : i1 to i32
    %sign3A_12 = arith.constant 0 : i32
    %sign3A_13 = arith.cmpi slt, %jit3A, %sign3A_12 : i32
    %sign3A_14 = arith.extui %sign3A_13 : i1 to i32
    %sign3A_15 = arith.subi %sign3A_11, %sign3A_14 : i32
    %ne3A = arith.cmpi ne, %sign3A_8, %sign3A_15 : i32
    %rem3A = arith.remsi %mul3A_2, %jit3A : i32
    %ne3A_16 = arith.constant 0 : i32
    %ne3A_17 = arith.cmpi ne, %rem3A, %ne3A_16 : i32
    %and3A = arith.andi %ne3A, %ne3A_17 : i1
    %sub3A = arith.constant 1 : i32
    %sub3A_18 = arith.subi %div3A, %sub3A : i32
    %select_n3A = arith.select %and3A, %sub3A_18, %div3A : i32
    %jit3A_19 = arith.constant 32 : i32
    %eq3A = arith.constant 0 : i32
    %eq3A_20 = arith.cmpi eq, %jit3A_19, %eq3A : i32
    %jit3A_21 = arith.constant 1 : i32
    %select_n3A_22 = arith.select %eq3A_20, %jit3A_21, %jit3A_19 : i32
    %rem3A_23 = arith.remsi %mul3A_2, %select_n3A_22 : i32
    %ne3A_24 = arith.constant 0 : i32
    %ne3A_25 = arith.cmpi ne, %rem3A_23, %ne3A_24 : i32
    %lt3A = arith.constant 0 : i32
    %lt3A_26 = arith.cmpi slt, %rem3A_23, %lt3A : i32
    %lt3A_27 = arith.constant 0 : i32
    %lt3A_28 = arith.cmpi slt, %select_n3A_22, %lt3A_27 : i32
    %ne3A_29 = arith.xori %lt3A_26, %lt3A_28 : i1
    %and3A_30 = arith.andi %ne3A_29, %ne3A_25 : i1
    %add3A_31 = arith.addi %rem3A_23, %select_n3A_22 : i32
    %select_n3A_32 = arith.select %and3A_30, %add3A_31, %rem3A_23 : i32
    %dma_start3A = arith.constant 0 : i32
    %dma_start3A_33 = tpu.memref_slice %arg6[%dma_start3A] : memref<50048xf32, #tpu.memory_space<vmem>> -> memref<12544xf32, #tpu.memory_space<vmem>>
    %dma_start3A_34 = arith.constant 0 : i32
    %dma_start3A_35 = tpu.memref_slice %arg3[%select_n3A, %select_n3A_32, %dma_start3A_34] : memref<26x32x100000xf32, #tpu.memory_space<hbm>> -> memref<1x1x12544xf32, #tpu.memory_space<hbm>>
    %dma_start3A_36 = tpu.memref_squeeze %dma_start3A_35 : memref<1x1x12544xf32, #tpu.memory_space<hbm>> -> memref<12544xf32, #tpu.memory_space<hbm>>
    %dma_start3A_37 = arith.constant 0 : i32
    %dma_start3A_38 = tpu.memref_slice %arg6[%dma_start3A_37] : memref<50048xf32, #tpu.memory_space<vmem>> -> memref<12544xf32, #tpu.memory_space<vmem>>
    %dma_start3A_39 = arith.constant 0 : i32
    %dma_start3A_40 = tpu.memref_slice %arg3[%select_n3A, %select_n3A_32, %dma_start3A_39] : memref<26x32x100000xf32, #tpu.memory_space<hbm>> -> memref<1x1x12544xf32, #tpu.memory_space<hbm>>
    %dma_start3A_41 = tpu.memref_squeeze %dma_start3A_40 : memref<1x1x12544xf32, #tpu.memory_space<hbm>> -> memref<12544xf32, #tpu.memory_space<hbm>>
    tpu.enqueue_dma source(%dma_start3A_41 : memref<12544xf32, #tpu.memory_space<hbm>>) target(%dma_start3A_38 : memref<12544xf32, #tpu.memory_space<vmem>>) target_semaphore(%arg10 : memref<!tpu.dma_semaphore, #tpu.memory_space<semaphore_mem>>)
    %dma_start3A_42 = arith.constant 12544 : i32
    %dma_start3A_43 = tpu.memref_slice %arg6[%dma_start3A_42] : memref<50048xf32, #tpu.memory_space<vmem>> -> memref<12544xf32, #tpu.memory_space<vmem>>
    %dma_start3A_44 = arith.constant 12544 : i32
    %dma_start3A_45 = tpu.memref_slice %arg3[%select_n3A, %select_n3A_32, %dma_start3A_44] : memref<26x32x100000xf32, #tpu.memory_space<hbm>> -> memref<1x1x12544xf32, #tpu.memory_space<hbm>>
    %dma_start3A_46 = tpu.memref_squeeze %dma_start3A_45 : memref<1x1x12544xf32, #tpu.memory_space<hbm>> -> memref<12544xf32, #tpu.memory_space<hbm>>
    %dma_start3A_47 = arith.constant 12544 : i32
    %dma_start3A_48 = tpu.memref_slice %arg6[%dma_start3A_47] : memref<50048xf32, #tpu.memory_space<vmem>> -> memref<12544xf32, #tpu.memory_space<vmem>>
    %dma_start3A_49 = arith.constant 12544 : i32
    %dma_start3A_50 = tpu.memref_slice %arg3[%select_n3A, %select_n3A_32, %dma_start3A_49] : memref<26x32x100000xf32, #tpu.memory_space<hbm>> -> memref<1x1x12544xf32, #tpu.memory_space<hbm>>
    %dma_start3A_51 = tpu.memref_squeeze %dma_start3A_50 : memref<1x1x12544xf32, #tpu.memory_space<hbm>> -> memref<12544xf32, #tpu.memory_space<hbm>>
    tpu.enqueue_dma source(%dma_start3A_51 : memref<12544xf32, #tpu.memory_space<hbm>>) target(%dma_start3A_48 : memref<12544xf32, #tpu.memory_space<vmem>>) target_semaphore(%arg10 : memref<!tpu.dma_semaphore, #tpu.memory_space<semaphore_mem>>)
    %dma_start3A_52 = arith.constant 25088 : i32
    %dma_start3A_53 = tpu.memref_slice %arg6[%dma_start3A_52] : memref<50048xf32, #tpu.memory_space<vmem>> -> memref<12544xf32, #tpu.memory_space<vmem>>
    %dma_start3A_54 = arith.constant 25088 : i32
    %dma_start3A_55 = tpu.memref_slice %arg3[%select_n3A, %select_n3A_32, %dma_start3A_54] : memref<26x32x100000xf32, #tpu.memory_space<hbm>> -> memref<1x1x12544xf32, #tpu.memory_space<hbm>>
    %dma_start3A_56 = tpu.memref_squeeze %dma_start3A_55 : memref<1x1x12544xf32, #tpu.memory_space<hbm>> -> memref<12544xf32, #tpu.memory_space<hbm>>
    %dma_start3A_57 = arith.constant 25088 : i32
    %dma_start3A_58 = tpu.memref_slice %arg6[%dma_start3A_57] : memref<50048xf32, #tpu.memory_space<vmem>> -> memref<12544xf32, #tpu.memory_space<vmem>>
    %dma_start3A_59 = arith.constant 25088 : i32
    %dma_start3A_60 = tpu.memref_slice %arg3[%select_n3A, %select_n3A_32, %dma_start3A_59] : memref<26x32x100000xf32, #tpu.memory_space<hbm>> -> memref<1x1x12544xf32, #tpu.memory_space<hbm>>
    %dma_start3A_61 = tpu.memref_squeeze %dma_start3A_60 : memref<1x1x12544xf32, #tpu.memory_space<hbm>> -> memref<12544xf32, #tpu.memory_space<hbm>>
    tpu.enqueue_dma source(%dma_start3A_61 : memref<12544xf32, #tpu.memory_space<hbm>>) target(%dma_start3A_58 : memref<12544xf32, #tpu.memory_space<vmem>>) target_semaphore(%arg10 : memref<!tpu.dma_semaphore, #tpu.memory_space<semaphore_mem>>)
    %dma_start3A_62 = arith.constant 37632 : i32
    %dma_start3A_63 = tpu.memref_slice %arg6[%dma_start3A_62] : memref<50048xf32, #tpu.memory_space<vmem>> -> memref<12416xf32, #tpu.memory_space<vmem>>
    %dma_start3A_64 = arith.constant 37632 : i32
    %dma_start3A_65 = tpu.memref_slice %arg3[%select_n3A, %select_n3A_32, %dma_start3A_64] : memref<26x32x100000xf32, #tpu.memory_space<hbm>> -> memref<1x1x12416xf32, #tpu.memory_space<hbm>>
    %dma_start3A_66 = tpu.memref_squeeze %dma_start3A_65 : memref<1x1x12416xf32, #tpu.memory_space<hbm>> -> memref<12416xf32, #tpu.memory_space<hbm>>
    %dma_start3A_67 = arith.constant 37632 : i32
    %dma_start3A_68 = tpu.memref_slice %arg6[%dma_start3A_67] : memref<50048xf32, #tpu.memory_space<vmem>> -> memref<12416xf32, #tpu.memory_space<vmem>>
    %dma_start3A_69 = arith.constant 37632 : i32
    %dma_start3A_70 = tpu.memref_slice %arg3[%select_n3A, %select_n3A_32, %dma_start3A_69] : memref<26x32x100000xf32, #tpu.memory_space<hbm>> -> memref<1x1x12416xf32, #tpu.memory_space<hbm>>
    %dma_start3A_71 = tpu.memref_squeeze %dma_start3A_70 : memref<1x1x12416xf32, #tpu.memory_space<hbm>> -> memref<12416xf32, #tpu.memory_space<hbm>>
    tpu.enqueue_dma source(%dma_start3A_71 : memref<12416xf32, #tpu.memory_space<hbm>>) target(%dma_start3A_68 : memref<12416xf32, #tpu.memory_space<vmem>>) target_semaphore(%arg10 : memref<!tpu.dma_semaphore, #tpu.memory_space<semaphore_mem>>)
    %jit3A_72 = arith.constant 32 : i32
    %div3A_73 = arith.divsi %mul3A_2, %jit3A_72 : i32
    %sign3A_74 = arith.constant 0 : i32
    %sign3A_75 = arith.cmpi sgt, %mul3A_2, %sign3A_74 : i32
    %sign3A_76 = arith.extui %sign3A_75 : i1 to i32
    %sign3A_77 = arith.constant 0 : i32
    %sign3A_78 = arith.cmpi slt, %mul3A_2, %sign3A_77 : i32
    %sign3A_79 = arith.extui %sign3A_78 : i1 to i32
    %sign3A_80 = arith.subi %sign3A_76, %sign3A_79 : i32
    %sign3A_81 = arith.constant 0 : i32
    %sign3A_82 = arith.cmpi sgt, %jit3A_72, %sign3A_81 : i32
    %sign3A_83 = arith.extui %sign3A_82 : i1 to i32
    %sign3A_84 = arith.constant 0 : i32
    %sign3A_85 = arith.cmpi slt, %jit3A_72, %sign3A_84 : i32
    %sign3A_86 = arith.extui %sign3A_85 : i1 to i32
    %sign3A_87 = arith.subi %sign3A_83, %sign3A_86 : i32
    %ne3A_88 = arith.cmpi ne, %sign3A_80, %sign3A_87 : i32
    %rem3A_89 = arith.remsi %mul3A_2, %jit3A_72 : i32
    %ne3A_90 = arith.constant 0 : i32
    %ne3A_91 = arith.cmpi ne, %rem3A_89, %ne3A_90 : i32
    %and3A_92 = arith.andi %ne3A_88, %ne3A_91 : i1
    %sub3A_93 = arith.constant 1 : i32
    %sub3A_94 = arith.subi %div3A_73, %sub3A_93 : i32
    %select_n3A_95 = arith.select %and3A_92, %sub3A_94, %div3A_73 : i32
    %jit3A_96 = arith.constant 32 : i32
    %eq3A_97 = arith.constant 0 : i32
    %eq3A_98 = arith.cmpi eq, %jit3A_96, %eq3A_97 : i32
    %jit3A_99 = arith.constant 1 : i32
    %select_n3A_100 = arith.select %eq3A_98, %jit3A_99, %jit3A_96 : i32
    %rem3A_101 = arith.remsi %mul3A_2, %select_n3A_100 : i32
    %ne3A_102 = arith.constant 0 : i32
    %ne3A_103 = arith.cmpi ne, %rem3A_101, %ne3A_102 : i32
    %lt3A_104 = arith.constant 0 : i32
    %lt3A_105 = arith.cmpi slt, %rem3A_101, %lt3A_104 : i32
    %lt3A_106 = arith.constant 0 : i32
    %lt3A_107 = arith.cmpi slt, %select_n3A_100, %lt3A_106 : i32
    %ne3A_108 = arith.xori %lt3A_105, %lt3A_107 : i1
    %and3A_109 = arith.andi %ne3A_108, %ne3A_103 : i1
    %add3A_110 = arith.addi %rem3A_101, %select_n3A_100 : i32
    %select_n3A_111 = arith.select %and3A_109, %add3A_110, %rem3A_101 : i32
    %dma_start3A_112 = arith.constant 0 : i32
    %dma_start3A_113 = tpu.memref_slice %arg7[%dma_start3A_112] : memref<50048xf32, #tpu.memory_space<vmem>> -> memref<12544xf32, #tpu.memory_space<vmem>>
    %dma_start3A_114 = arith.constant 50048 : i32
    %dma_start3A_115 = tpu.memref_slice %arg3[%select_n3A_95, %select_n3A_111, %dma_start3A_114] : memref<26x32x100000xf32, #tpu.memory_space<hbm>> -> memref<1x1x12544xf32, #tpu.memory_space<hbm>>
    %dma_start3A_116 = tpu.memref_squeeze %dma_start3A_115 : memref<1x1x12544xf32, #tpu.memory_space<hbm>> -> memref<12544xf32, #tpu.memory_space<hbm>>
    %dma_start3A_117 = arith.constant 0 : i32
    %dma_start3A_118 = tpu.memref_slice %arg7[%dma_start3A_117] : memref<50048xf32, #tpu.memory_space<vmem>> -> memref<12544xf32, #tpu.memory_space<vmem>>
    %dma_start3A_119 = arith.constant 50048 : i32
    %dma_start3A_120 = tpu.memref_slice %arg3[%select_n3A_95, %select_n3A_111, %dma_start3A_119] : memref<26x32x100000xf32, #tpu.memory_space<hbm>> -> memref<1x1x12544xf32, #tpu.memory_space<hbm>>
    %dma_start3A_121 = tpu.memref_squeeze %dma_start3A_120 : memref<1x1x12544xf32, #tpu.memory_space<hbm>> -> memref<12544xf32, #tpu.memory_space<hbm>>
    tpu.enqueue_dma source(%dma_start3A_121 : memref<12544xf32, #tpu.memory_space<hbm>>) target(%dma_start3A_118 : memref<12544xf32, #tpu.memory_space<vmem>>) target_semaphore(%arg11 : memref<!tpu.dma_semaphore, #tpu.memory_space<semaphore_mem>>)
    %dma_start3A_122 = arith.constant 12544 : i32
    %dma_start3A_123 = tpu.memref_slice %arg7[%dma_start3A_122] : memref<50048xf32, #tpu.memory_space<vmem>> -> memref<12544xf32, #tpu.memory_space<vmem>>
    %dma_start3A_124 = arith.constant 62592 : i32
    %dma_start3A_125 = tpu.memref_slice %arg3[%select_n3A_95, %select_n3A_111, %dma_start3A_124] : memref<26x32x100000xf32, #tpu.memory_space<hbm>> -> memref<1x1x12544xf32, #tpu.memory_space<hbm>>
    %dma_start3A_126 = tpu.memref_squeeze %dma_start3A_125 : memref<1x1x12544xf32, #tpu.memory_space<hbm>> -> memref<12544xf32, #tpu.memory_space<hbm>>
    %dma_start3A_127 = arith.constant 12544 : i32
    %dma_start3A_128 = tpu.memref_slice %arg7[%dma_start3A_127] : memref<50048xf32, #tpu.memory_space<vmem>> -> memref<12544xf32, #tpu.memory_space<vmem>>
    %dma_start3A_129 = arith.constant 62592 : i32
    %dma_start3A_130 = tpu.memref_slice %arg3[%select_n3A_95, %select_n3A_111, %dma_start3A_129] : memref<26x32x100000xf32, #tpu.memory_space<hbm>> -> memref<1x1x12544xf32, #tpu.memory_space<hbm>>
    %dma_start3A_131 = tpu.memref_squeeze %dma_start3A_130 : memref<1x1x12544xf32, #tpu.memory_space<hbm>> -> memref<12544xf32, #tpu.memory_space<hbm>>
    tpu.enqueue_dma source(%dma_start3A_131 : memref<12544xf32, #tpu.memory_space<hbm>>) target(%dma_start3A_128 : memref<12544xf32, #tpu.memory_space<vmem>>) target_semaphore(%arg11 : memref<!tpu.dma_semaphore, #tpu.memory_space<semaphore_mem>>)
    %dma_start3A_132 = arith.constant 25088 : i32
    %dma_start3A_133 = tpu.memref_slice %arg7[%dma_start3A_132] : memref<50048xf32, #tpu.memory_space<vmem>> -> memref<12544xf32, #tpu.memory_space<vmem>>
    %dma_start3A_134 = arith.constant 75136 : i32
    %dma_start3A_135 = tpu.memref_slice %arg3[%select_n3A_95, %select_n3A_111, %dma_start3A_134] : memref<26x32x100000xf32, #tpu.memory_space<hbm>> -> memref<1x1x12544xf32, #tpu.memory_space<hbm>>
    %dma_start3A_136 = tpu.memref_squeeze %dma_start3A_135 : memref<1x1x12544xf32, #tpu.memory_space<hbm>> -> memref<12544xf32, #tpu.memory_space<hbm>>
    %dma_start3A_137 = arith.constant 25088 : i32
    %dma_start3A_138 = tpu.memref_slice %arg7[%dma_start3A_137] : memref<50048xf32, #tpu.memory_space<vmem>> -> memref<12544xf32, #tpu.memory_space<vmem>>
    %dma_start3A_139 = arith.constant 75136 : i32
    %dma_start3A_140 = tpu.memref_slice %arg3[%select_n3A_95, %select_n3A_111, %dma_start3A_139] : memref<26x32x100000xf32, #tpu.memory_space<hbm>> -> memref<1x1x12544xf32, #tpu.memory_space<hbm>>
    %dma_start3A_141 = tpu.memref_squeeze %dma_start3A_140 : memref<1x1x12544xf32, #tpu.memory_space<hbm>> -> memref<12544xf32, #tpu.memory_space<hbm>>
    tpu.enqueue_dma source(%dma_start3A_141 : memref<12544xf32, #tpu.memory_space<hbm>>) target(%dma_start3A_138 : memref<12544xf32, #tpu.memory_space<vmem>>) target_semaphore(%arg11 : memref<!tpu.dma_semaphore, #tpu.memory_space<semaphore_mem>>)
    %dma_start3A_142 = arith.constant 37632 : i32
    %dma_start3A_143 = tpu.memref_slice %arg7[%dma_start3A_142] : memref<50048xf32, #tpu.memory_space<vmem>> -> memref<12288xf32, #tpu.memory_space<vmem>>
    %dma_start3A_144 = arith.constant 87680 : i32
    %dma_start3A_145 = tpu.memref_slice %arg3[%select_n3A_95, %select_n3A_111, %dma_start3A_144] : memref<26x32x100000xf32, #tpu.memory_space<hbm>> -> memref<1x1x12288xf32, #tpu.memory_space<hbm>>
    %dma_start3A_146 = tpu.memref_squeeze %dma_start3A_145 : memref<1x1x12288xf32, #tpu.memory_space<hbm>> -> memref<12288xf32, #tpu.memory_space<hbm>>
    %dma_start3A_147 = arith.constant 37632 : i32
    %dma_start3A_148 = tpu.memref_slice %arg7[%dma_start3A_147] : memref<50048xf32, #tpu.memory_space<vmem>> -> memref<12288xf32, #tpu.memory_space<vmem>>
    %dma_start3A_149 = arith.constant 87680 : i32
    %dma_start3A_150 = tpu.memref_slice %arg3[%select_n3A_95, %select_n3A_111, %dma_start3A_149] : memref<26x32x100000xf32, #tpu.memory_space<hbm>> -> memref<1x1x12288xf32, #tpu.memory_space<hbm>>
    %dma_start3A_151 = tpu.memref_squeeze %dma_start3A_150 : memref<1x1x12288xf32, #tpu.memory_space<hbm>> -> memref<12288xf32, #tpu.memory_space<hbm>>
    tpu.enqueue_dma source(%dma_start3A_151 : memref<12288xf32, #tpu.memory_space<hbm>>) target(%dma_start3A_148 : memref<12288xf32, #tpu.memory_space<vmem>>) target_semaphore(%arg11 : memref<!tpu.dma_semaphore, #tpu.memory_space<semaphore_mem>>)
    %dma_start3A_152 = arith.constant 49920 : i32
    %dma_start3A_153 = tpu.memref_slice %arg7[%dma_start3A_152] : memref<50048xf32, #tpu.memory_space<vmem>> -> memref<128xf32, #tpu.memory_space<vmem>>
    %dma_start3A_154 = arith.constant 0 : i32
    %dma_start3A_155 = tpu.memref_slice %arg4[%select_n3A_95, %select_n3A_111, %dma_start3A_154] : memref<26x32x128xf32, #tpu.memory_space<hbm>> -> memref<1x1x128xf32, #tpu.memory_space<hbm>>
    %dma_start3A_156 = tpu.memref_squeeze %dma_start3A_155 : memref<1x1x128xf32, #tpu.memory_space<hbm>> -> memref<128xf32, #tpu.memory_space<hbm>>
    %dma_start3A_157 = arith.constant 49920 : i32
    %dma_start3A_158 = tpu.memref_slice %arg7[%dma_start3A_157] : memref<50048xf32, #tpu.memory_space<vmem>> -> memref<128xf32, #tpu.memory_space<vmem>>
    %dma_start3A_159 = arith.constant 0 : i32
    %dma_start3A_160 = tpu.memref_slice %arg4[%select_n3A_95, %select_n3A_111, %dma_start3A_159] : memref<26x32x128xf32, #tpu.memory_space<hbm>> -> memref<1x1x128xf32, #tpu.memory_space<hbm>>
    %dma_start3A_161 = tpu.memref_squeeze %dma_start3A_160 : memref<1x1x128xf32, #tpu.memory_space<hbm>> -> memref<128xf32, #tpu.memory_space<hbm>>
    tpu.enqueue_dma source(%dma_start3A_161 : memref<128xf32, #tpu.memory_space<hbm>>) target(%dma_start3A_158 : memref<128xf32, #tpu.memory_space<vmem>>) target_semaphore(%arg11 : memref<!tpu.dma_semaphore, #tpu.memory_space<semaphore_mem>>)
    %scan3A = arith.constant 0 : i32
    %scan3A_162 = arith.constant 26 : i32
    %scan3A_163 = arith.addi %scan3A, %scan3A_162 : i32
    %scan3A_164 = arith.constant 1 : i32
    scf.for %scan3A_195 = %scan3A to %scan3A_163 step %scan3A_164  : i32 {
      %mul3A_196 = arith.constant 1 : i32
      %mul3A_197 = arith.muli %scan3A_195, %mul3A_196 : i32
      %add3A_198 = arith.constant 0 : i32
      %add3A_199 = arith.addi %add3A_198, %mul3A_197 : i32
      %add3A_200 = arith.addi %mul3A_2, %add3A_199 : i32
      %jit3A_201 = arith.constant 32 : i32
      %eq3A_202 = arith.constant 0 : i32
      %eq3A_203 = arith.cmpi eq, %jit3A_201, %eq3A_202 : i32
      %jit3A_204 = arith.constant 1 : i32
      %select_n3A_205 = arith.select %eq3A_203, %jit3A_204, %jit3A_201 : i32
      %rem3A_206 = arith.remsi %add3A_200, %select_n3A_205 : i32
      %ne3A_207 = arith.constant 0 : i32
      %ne3A_208 = arith.cmpi ne, %rem3A_206, %ne3A_207 : i32
      %lt3A_209 = arith.constant 0 : i32
      %lt3A_210 = arith.cmpi slt, %rem3A_206, %lt3A_209 : i32
      %lt3A_211 = arith.constant 0 : i32
      %lt3A_212 = arith.cmpi slt, %select_n3A_205, %lt3A_211 : i32
      %ne3A_213 = arith.xori %lt3A_210, %lt3A_212 : i1
      %and3A_214 = arith.andi %ne3A_213, %ne3A_208 : i1
      %add3A_215 = arith.addi %rem3A_206, %select_n3A_205 : i32
      %select_n3A_216 = arith.select %and3A_214, %add3A_215, %rem3A_206 : i32
      %jit3A_217 = arith.constant 2 : i32
      %eq3A_218 = arith.constant 0 : i32
      %eq3A_219 = arith.cmpi eq, %jit3A_217, %eq3A_218 : i32
      %jit3A_220 = arith.constant 1 : i32
      %select_n3A_221 = arith.select %eq3A_219, %jit3A_220, %jit3A_217 : i32
      %rem3A_222 = arith.remsi %add3A_199, %select_n3A_221 : i32
      %ne3A_223 = arith.constant 0 : i32
      %ne3A_224 = arith.cmpi ne, %rem3A_222, %ne3A_223 : i32
      %lt3A_225 = arith.constant 0 : i32
      %lt3A_226 = arith.cmpi slt, %rem3A_222, %lt3A_225 : i32
      %lt3A_227 = arith.constant 0 : i32
      %lt3A_228 = arith.cmpi slt, %select_n3A_221, %lt3A_227 : i32
      %ne3A_229 = arith.xori %lt3A_226, %lt3A_228 : i1
      %and3A_230 = arith.andi %ne3A_229, %ne3A_224 : i1
      %add3A_231 = arith.addi %rem3A_222, %select_n3A_221 : i32
      %select_n3A_232 = arith.select %and3A_230, %add3A_231, %rem3A_222 : i32
      %eq3A_233 = arith.constant 0 : i32
      %eq3A_234 = arith.cmpi eq, %add3A_199, %eq3A_233 : i32
      %eq3A_235 = arith.constant 0 : i32
      %eq3A_236 = arith.cmpi eq, %select_n3A_216, %eq3A_235 : i32
      %or3A = arith.ori %eq3A_234, %eq3A_236 : i1
      %convert_element_type3A = arith.extui %or3A : i1 to i32
      %cond3A = arith.constant 0 : i32
      %cond3A_237 = arith.cmpi ne, %convert_element_type3A, %cond3A : i32
      scf.if %cond3A_237 {
        %jit3A_448 = arith.constant 32 : i32
        %div3A_449 = arith.divsi %add3A_200, %jit3A_448 : i32
        %sign3A_450 = arith.constant 0 : i32
        %sign3A_451 = arith.cmpi sgt, %add3A_200, %sign3A_450 : i32
        %sign3A_452 = arith.extui %sign3A_451 : i1 to i32
        %sign3A_453 = arith.constant 0 : i32
        %sign3A_454 = arith.cmpi slt, %add3A_200, %sign3A_453 : i32
        %sign3A_455 = arith.extui %sign3A_454 : i1 to i32
        %sign3A_456 = arith.subi %sign3A_452, %sign3A_455 : i32
        %sign3A_457 = arith.constant 0 : i32
        %sign3A_458 = arith.cmpi sgt, %jit3A_448, %sign3A_457 : i32
        %sign3A_459 = arith.extui %sign3A_458 : i1 to i32
        %sign3A_460 = arith.constant 0 : i32
        %sign3A_461 = arith.cmpi slt, %jit3A_448, %sign3A_460 : i32
        %sign3A_462 = arith.extui %sign3A_461 : i1 to i32
        %sign3A_463 = arith.subi %sign3A_459, %sign3A_462 : i32
        %ne3A_464 = arith.cmpi ne, %sign3A_456, %sign3A_463 : i32
        %rem3A_465 = arith.remsi %add3A_200, %jit3A_448 : i32
        %ne3A_466 = arith.constant 0 : i32
        %ne3A_467 = arith.cmpi ne, %rem3A_465, %ne3A_466 : i32
        %and3A_468 = arith.andi %ne3A_464, %ne3A_467 : i1
        %sub3A_469 = arith.constant 1 : i32
        %sub3A_470 = arith.subi %div3A_449, %sub3A_469 : i32
        %select_n3A_471 = arith.select %and3A_468, %sub3A_470, %div3A_449 : i32
        "tpu.region"() ({
          %run_scoped3A = tpu.sem_alloc : memref<!tpu.dma_semaphore, #tpu.memory_space<semaphore_mem>>
          %dma_start3A_472 = arith.constant 0 : i32
          %dma_start3A_473 = tpu.memref_slice %arg2[%select_n3A_471, %dma_start3A_472] : memref<26x4096xi32, #tpu.memory_space<hbm>> -> memref<1x4096xi32, #tpu.memory_space<hbm>>
          %dma_start3A_474 = tpu.memref_squeeze %dma_start3A_473 : memref<1x4096xi32, #tpu.memory_space<hbm>> -> memref<4096xi32, #tpu.memory_space<hbm>>
          %dma_start3A_475 = arith.constant 0 : i32
          %dma_start3A_476 = tpu.memref_slice %arg2[%select_n3A_471, %dma_start3A_475] : memref<26x4096xi32, #tpu.memory_space<hbm>> -> memref<1x4096xi32, #tpu.memory_space<hbm>>
          %dma_start3A_477 = tpu.memref_squeeze %dma_start3A_476 : memref<1x4096xi32, #tpu.memory_space<hbm>> -> memref<4096xi32, #tpu.memory_space<hbm>>
          tpu.enqueue_dma source(%dma_start3A_477 : memref<4096xi32, #tpu.memory_space<hbm>>) target(%arg8 : memref<4096xi32, #tpu.memory_space<vmem>>) target_semaphore(%run_scoped3A : memref<!tpu.dma_semaphore, #tpu.memory_space<semaphore_mem>>)
          %dma_wait3A_478 = arith.constant 0 : i32
          %dma_wait3A_479 = tpu.memref_slice %arg2[%select_n3A_471, %dma_wait3A_478] : memref<26x4096xi32, #tpu.memory_space<hbm>> -> memref<1x4096xi32, #tpu.memory_space<hbm>>
          %dma_wait3A_480 = tpu.memref_squeeze %dma_wait3A_479 : memref<1x4096xi32, #tpu.memory_space<hbm>> -> memref<4096xi32, #tpu.memory_space<hbm>>
          %dma_wait3A_481 = arith.constant 0 : i32
          %dma_wait3A_482 = tpu.memref_slice %arg2[%select_n3A_471, %dma_wait3A_481] : memref<26x4096xi32, #tpu.memory_space<hbm>> -> memref<1x4096xi32, #tpu.memory_space<hbm>>
          %dma_wait3A_483 = tpu.memref_squeeze %dma_wait3A_482 : memref<1x4096xi32, #tpu.memory_space<hbm>> -> memref<4096xi32, #tpu.memory_space<hbm>>
          tpu.wait_dma2 semaphore(%run_scoped3A : memref<!tpu.dma_semaphore, #tpu.memory_space<semaphore_mem>>) src(%dma_wait3A_483 : memref<4096xi32, #tpu.memory_space<hbm>>) dst(%arg8 : memref<4096xi32, #tpu.memory_space<vmem>>)
          tpu.yield
        }) : () -> ()
      } else {
      }
      %ge3A = arith.constant 2 : i32
      %ge3A_238 = arith.cmpi sge, %add3A_199, %ge3A : i32
      %convert_element_type3A_239 = arith.extui %ge3A_238 : i1 to i32
      %cond3A_240 = arith.constant 0 : i32
      %cond3A_241 = arith.cmpi ne, %convert_element_type3A_239, %cond3A_240 : i32
      scf.if %cond3A_241 {
        %dma_wait3A_448 = arith.constant 0 : i32
        %dma_wait3A_449 = tpu.memref_slice %arg9[%select_n3A_232, %dma_wait3A_448] : memref<2x4096xf32, #tpu.memory_space<vmem>> -> memref<1x4096xf32, #tpu.memory_space<vmem>>
        %dma_wait3A_450 = tpu.memref_squeeze %dma_wait3A_449 : memref<1x4096xf32, #tpu.memory_space<vmem>> -> memref<4096xf32, #tpu.memory_space<vmem>>
        %dma_wait3A_451 = arith.constant 0 : i32
        %dma_wait3A_452 = tpu.memref_slice %arg5[%add3A_200, %dma_wait3A_451] : memref<832x4096xf32, #tpu.memory_space<hbm>> -> memref<1x4096xf32, #tpu.memory_space<hbm>>
        %dma_wait3A_453 = tpu.memref_squeeze %dma_wait3A_452 : memref<1x4096xf32, #tpu.memory_space<hbm>> -> memref<4096xf32, #tpu.memory_space<hbm>>
        %dma_wait3A_454 = arith.constant 0 : i32
        %dma_wait3A_455 = tpu.memref_slice %arg5[%add3A_200, %dma_wait3A_454] : memref<832x4096xf32, #tpu.memory_space<hbm>> -> memref<1x4096xf32, #tpu.memory_space<hbm>>
        %dma_wait3A_456 = tpu.memref_squeeze %dma_wait3A_455 : memref<1x4096xf32, #tpu.memory_space<hbm>> -> memref<4096xf32, #tpu.memory_space<hbm>>
        %dma_wait3A_457 = arith.constant 0 : i32
        %dma_wait3A_458 = tpu.memref_slice %arg9[%select_n3A_232, %dma_wait3A_457] : memref<2x4096xf32, #tpu.memory_space<vmem>> -> memref<1x4096xf32, #tpu.memory_space<vmem>>
        %dma_wait3A_459 = tpu.memref_squeeze %dma_wait3A_458 : memref<1x4096xf32, #tpu.memory_space<vmem>> -> memref<4096xf32, #tpu.memory_space<vmem>>
        tpu.wait_dma2 semaphore(%arg12 : memref<!tpu.dma_semaphore, #tpu.memory_space<semaphore_mem>>) src(%dma_wait3A_459 : memref<4096xf32, #tpu.memory_space<vmem>>) dst(%dma_wait3A_456 : memref<4096xf32, #tpu.memory_space<hbm>>)
      } else {
      }
      %jit3A_242 = arith.constant 32 : i32
      %div3A_243 = arith.divsi %add3A_200, %jit3A_242 : i32
      %sign3A_244 = arith.constant 0 : i32
      %sign3A_245 = arith.cmpi sgt, %add3A_200, %sign3A_244 : i32
      %sign3A_246 = arith.extui %sign3A_245 : i1 to i32
      %sign3A_247 = arith.constant 0 : i32
      %sign3A_248 = arith.cmpi slt, %add3A_200, %sign3A_247 : i32
      %sign3A_249 = arith.extui %sign3A_248 : i1 to i32
      %sign3A_250 = arith.subi %sign3A_246, %sign3A_249 : i32
      %sign3A_251 = arith.constant 0 : i32
      %sign3A_252 = arith.cmpi sgt, %jit3A_242, %sign3A_251 : i32
      %sign3A_253 = arith.extui %sign3A_252 : i1 to i32
      %sign3A_254 = arith.constant 0 : i32
      %sign3A_255 = arith.cmpi slt, %jit3A_242, %sign3A_254 : i32
      %sign3A_256 = arith.extui %sign3A_255 : i1 to i32
      %sign3A_257 = arith.subi %sign3A_253, %sign3A_256 : i32
      %ne3A_258 = arith.cmpi ne, %sign3A_250, %sign3A_257 : i32
      %rem3A_259 = arith.remsi %add3A_200, %jit3A_242 : i32
      %ne3A_260 = arith.constant 0 : i32
      %ne3A_261 = arith.cmpi ne, %rem3A_259, %ne3A_260 : i32
      %and3A_262 = arith.andi %ne3A_258, %ne3A_261 : i1
      %sub3A_263 = arith.constant 1 : i32
      %sub3A_264 = arith.subi %div3A_243, %sub3A_263 : i32
      %select_n3A_265 = arith.select %and3A_262, %sub3A_264, %div3A_243 : i32
      %jit3A_266 = arith.constant 32 : i32
      %eq3A_267 = arith.constant 0 : i32
      %eq3A_268 = arith.cmpi eq, %jit3A_266, %eq3A_267 : i32
      %jit3A_269 = arith.constant 1 : i32
      %select_n3A_270 = arith.select %eq3A_268, %jit3A_269, %jit3A_266 : i32
      %rem3A_271 = arith.remsi %add3A_200, %select_n3A_270 : i32
      %ne3A_272 = arith.constant 0 : i32
      %ne3A_273 = arith.cmpi ne, %rem3A_271, %ne3A_272 : i32
      %lt3A_274 = arith.constant 0 : i32
      %lt3A_275 = arith.cmpi slt, %rem3A_271, %lt3A_274 : i32
      %lt3A_276 = arith.constant 0 : i32
      %lt3A_277 = arith.cmpi slt, %select_n3A_270, %lt3A_276 : i32
      %ne3A_278 = arith.xori %lt3A_275, %lt3A_277 : i1
      %and3A_279 = arith.andi %ne3A_278, %ne3A_273 : i1
      %add3A_280 = arith.addi %rem3A_271, %select_n3A_270 : i32
      %select_n3A_281 = arith.select %and3A_279, %add3A_280, %rem3A_271 : i32
      %dma_wait3A_282 = arith.constant 0 : i32
      %dma_wait3A_283 = tpu.memref_slice %arg6[%dma_wait3A_282] : memref<50048xf32, #tpu.memory_space<vmem>> -> memref<12544xf32, #tpu.memory_space<vmem>>
      %dma_wait3A_284 = arith.constant 0 : i32
      %dma_wait3A_285 = tpu.memref_slice %arg3[%select_n3A_265, %select_n3A_281, %dma_wait3A_284] : memref<26x32x100000xf32, #tpu.memory_space<hbm>> -> memref<1x1x12544xf32, #tpu.memory_space<hbm>>
      %dma_wait3A_286 = tpu.memref_squeeze %dma_wait3A_285 : memref<1x1x12544xf32, #tpu.memory_space<hbm>> -> memref<12544xf32, #tpu.memory_space<hbm>>
      %dma_wait3A_287 = arith.constant 0 : i32
      %dma_wait3A_288 = tpu.memref_slice %arg6[%dma_wait3A_287] : memref<50048xf32, #tpu.memory_space<vmem>> -> memref<12544xf32, #tpu.memory_space<vmem>>
      %dma_wait3A_289 = arith.constant 0 : i32
      %dma_wait3A_290 = tpu.memref_slice %arg3[%select_n3A_265, %select_n3A_281, %dma_wait3A_289] : memref<26x32x100000xf32, #tpu.memory_space<hbm>> -> memref<1x1x12544xf32, #tpu.memory_space<hbm>>
      %dma_wait3A_291 = tpu.memref_squeeze %dma_wait3A_290 : memref<1x1x12544xf32, #tpu.memory_space<hbm>> -> memref<12544xf32, #tpu.memory_space<hbm>>
      tpu.wait_dma2 semaphore(%arg10 : memref<!tpu.dma_semaphore, #tpu.memory_space<semaphore_mem>>) src(%dma_wait3A_291 : memref<12544xf32, #tpu.memory_space<hbm>>) dst(%dma_wait3A_288 : memref<12544xf32, #tpu.memory_space<vmem>>)
      %dma_wait3A_292 = arith.constant 12544 : i32
      %dma_wait3A_293 = tpu.memref_slice %arg6[%dma_wait3A_292] : memref<50048xf32, #tpu.memory_space<vmem>> -> memref<12544xf32, #tpu.memory_space<vmem>>
      %dma_wait3A_294 = arith.constant 12544 : i32
      %dma_wait3A_295 = tpu.memref_slice %arg3[%select_n3A_265, %select_n3A_281, %dma_wait3A_294] : memref<26x32x100000xf32, #tpu.memory_space<hbm>> -> memref<1x1x12544xf32, #tpu.memory_space<hbm>>
      %dma_wait3A_296 = tpu.memref_squeeze %dma_wait3A_295 : memref<1x1x12544xf32, #tpu.memory_space<hbm>> -> memref<12544xf32, #tpu.memory_space<hbm>>
      %dma_wait3A_297 = arith.constant 12544 : i32
      %dma_wait3A_298 = tpu.memref_slice %arg6[%dma_wait3A_297] : memref<50048xf32, #tpu.memory_space<vmem>> -> memref<12544xf32, #tpu.memory_space<vmem>>
      %dma_wait3A_299 = arith.constant 12544 : i32
      %dma_wait3A_300 = tpu.memref_slice %arg3[%select_n3A_265, %select_n3A_281, %dma_wait3A_299] : memref<26x32x100000xf32, #tpu.memory_space<hbm>> -> memref<1x1x12544xf32, #tpu.memory_space<hbm>>
      %dma_wait3A_301 = tpu.memref_squeeze %dma_wait3A_300 : memref<1x1x12544xf32, #tpu.memory_space<hbm>> -> memref<12544xf32, #tpu.memory_space<hbm>>
      tpu.wait_dma2 semaphore(%arg10 : memref<!tpu.dma_semaphore, #tpu.memory_space<semaphore_mem>>) src(%dma_wait3A_301 : memref<12544xf32, #tpu.memory_space<hbm>>) dst(%dma_wait3A_298 : memref<12544xf32, #tpu.memory_space<vmem>>)
      %dma_wait3A_302 = arith.constant 25088 : i32
      %dma_wait3A_303 = tpu.memref_slice %arg6[%dma_wait3A_302] : memref<50048xf32, #tpu.memory_space<vmem>> -> memref<12544xf32, #tpu.memory_space<vmem>>
      %dma_wait3A_304 = arith.constant 25088 : i32
      %dma_wait3A_305 = tpu.memref_slice %arg3[%select_n3A_265, %select_n3A_281, %dma_wait3A_304] : memref<26x32x100000xf32, #tpu.memory_space<hbm>> -> memref<1x1x12544xf32, #tpu.memory_space<hbm>>
      %dma_wait3A_306 = tpu.memref_squeeze %dma_wait3A_305 : memref<1x1x12544xf32, #tpu.memory_space<hbm>> -> memref<12544xf32, #tpu.memory_space<hbm>>
      %dma_wait3A_307 = arith.constant 25088 : i32
      %dma_wait3A_308 = tpu.memref_slice %arg6[%dma_wait3A_307] : memref<50048xf32, #tpu.memory_space<vmem>> -> memref<12544xf32, #tpu.memory_space<vmem>>
      %dma_wait3A_309 = arith.constant 25088 : i32
      %dma_wait3A_310 = tpu.memref_slice %arg3[%select_n3A_265, %select_n3A_281, %dma_wait3A_309] : memref<26x32x100000xf32, #tpu.memory_space<hbm>> -> memref<1x1x12544xf32, #tpu.memory_space<hbm>>
      %dma_wait3A_311 = tpu.memref_squeeze %dma_wait3A_310 : memref<1x1x12544xf32, #tpu.memory_space<hbm>> -> memref<12544xf32, #tpu.memory_space<hbm>>
      tpu.wait_dma2 semaphore(%arg10 : memref<!tpu.dma_semaphore, #tpu.memory_space<semaphore_mem>>) src(%dma_wait3A_311 : memref<12544xf32, #tpu.memory_space<hbm>>) dst(%dma_wait3A_308 : memref<12544xf32, #tpu.memory_space<vmem>>)
      %dma_wait3A_312 = arith.constant 37632 : i32
      %dma_wait3A_313 = tpu.memref_slice %arg6[%dma_wait3A_312] : memref<50048xf32, #tpu.memory_space<vmem>> -> memref<12416xf32, #tpu.memory_space<vmem>>
      %dma_wait3A_314 = arith.constant 37632 : i32
      %dma_wait3A_315 = tpu.memref_slice %arg3[%select_n3A_265, %select_n3A_281, %dma_wait3A_314] : memref<26x32x100000xf32, #tpu.memory_space<hbm>> -> memref<1x1x12416xf32, #tpu.memory_space<hbm>>
      %dma_wait3A_316 = tpu.memref_squeeze %dma_wait3A_315 : memref<1x1x12416xf32, #tpu.memory_space<hbm>> -> memref<12416xf32, #tpu.memory_space<hbm>>
      %dma_wait3A_317 = arith.constant 37632 : i32
      %dma_wait3A_318 = tpu.memref_slice %arg6[%dma_wait3A_317] : memref<50048xf32, #tpu.memory_space<vmem>> -> memref<12416xf32, #tpu.memory_space<vmem>>
      %dma_wait3A_319 = arith.constant 37632 : i32
      %dma_wait3A_320 = tpu.memref_slice %arg3[%select_n3A_265, %select_n3A_281, %dma_wait3A_319] : memref<26x32x100000xf32, #tpu.memory_space<hbm>> -> memref<1x1x12416xf32, #tpu.memory_space<hbm>>
      %dma_wait3A_321 = tpu.memref_squeeze %dma_wait3A_320 : memref<1x1x12416xf32, #tpu.memory_space<hbm>> -> memref<12416xf32, #tpu.memory_space<hbm>>
      tpu.wait_dma2 semaphore(%arg10 : memref<!tpu.dma_semaphore, #tpu.memory_space<semaphore_mem>>) src(%dma_wait3A_321 : memref<12416xf32, #tpu.memory_space<hbm>>) dst(%dma_wait3A_318 : memref<12416xf32, #tpu.memory_space<vmem>>)
      %scan3A_322 = arith.constant 0 : i32
      %scan3A_323 = arith.constant 256 : i32
      %scan3A_324 = arith.addi %scan3A_322, %scan3A_323 : i32
      %scan3A_325 = arith.constant 8 : i32
      scf.for %scan3A_448 = %scan3A_322 to %scan3A_324 step %scan3A_325  : i32 {
        %mul3A_449 = arith.constant 1 : i32
        %mul3A_450 = arith.muli %scan3A_448, %mul3A_449 : i32
        %add3A_451 = arith.constant 0 : i32
        %add3A_452 = arith.addi %add3A_451, %mul3A_450 : i32
        %mul3A_453 = arith.constant 16 : i32
        %mul3A_454 = arith.muli %add3A_452, %mul3A_453 : i32
        %get3A = arith.index_cast %mul3A_454 : i32 to index
        %get3A_455 = tpu.vector_load %arg8[%get3A] {strides = array<i32>} : memref<4096xi32, #tpu.memory_space<vmem>>, vector<16xi32>,
        %min3A = arith.constant 50047 : i32
        %min3A_456 = vector.broadcast %min3A : i32 to vector<16xi32>
        %min3A_457 = arith.minsi %get3A_455, %min3A_456 : vector<16xi32>
        %gather3A = tpu.vector_load_idx %arg6[%min3A_457] : memref<50048xf32, #tpu.memory_space<vmem>>[vector<16xi32>], vector<16xf32>,
        %swap3A = arith.index_cast %select_n3A_232 : i32 to index
        %swap3A_458 = arith.index_cast %mul3A_454 : i32 to index
        %swap3A_459 = tpu.vector_load %arg9[%swap3A, %swap3A_458] {strides = array<i32>} : memref<2x4096xf32, #tpu.memory_space<vmem>>, vector<16xf32>,
        tpu.vector_store %arg9[%swap3A, %swap3A_458], %gather3A {strides = array<i32>} : memref<2x4096xf32, #tpu.memory_space<vmem>>, vector<16xf32>,
        %scan3A_460 = arith.constant 1 : i32
        %scan3A_461 = arith.addi %scan3A_448, %scan3A_460 : i32
        %mul3A_462 = arith.constant 1 : i32
        %mul3A_463 = arith.muli %scan3A_461, %mul3A_462 : i32
        %add3A_464 = arith.constant 0 : i32
        %add3A_465 = arith.addi %add3A_464, %mul3A_463 : i32
        %mul3A_466 = arith.constant 16 : i32
        %mul3A_467 = arith.muli %add3A_465, %mul3A_466 : i32
        %get3A_468 = arith.index_cast %mul3A_467 : i32 to index
        %get3A_469 = tpu.vector_load %arg8[%get3A_468] {strides = array<i32>} : memref<4096xi32, #tpu.memory_space<vmem>>, vector<16xi32>,
        %min3A_470 = arith.constant 50047 : i32
        %min3A_471 = vector.broadcast %min3A_470 : i32 to vector<16xi32>
        %min3A_472 = arith.minsi %get3A_469, %min3A_471 : vector<16xi32>
        %gather3A_473 = tpu.vector_load_idx %arg6[%min3A_472] : memref<50048xf32, #tpu.memory_space<vmem>>[vector<16xi32>], vector<16xf32>,
        %swap3A_474 = arith.index_cast %select_n3A_232 : i32 to index
        %swap3A_475 = arith.index_cast %mul3A_467 : i32 to index
        %swap3A_476 = tpu.vector_load %arg9[%swap3A_474, %swap3A_475] {strides = array<i32>} : memref<2x4096xf32, #tpu.memory_space<vmem>>, vector<16xf32>,
        tpu.vector_store %arg9[%swap3A_474, %swap3A_475], %gather3A_473 {strides = array<i32>} : memref<2x4096xf32, #tpu.memory_space<vmem>>, vector<16xf32>,
        %scan3A_477 = arith.constant 2 : i32
        %scan3A_478 = arith.addi %scan3A_448, %scan3A_477 : i32
        %mul3A_479 = arith.constant 1 : i32
        %mul3A_480 = arith.muli %scan3A_478, %mul3A_479 : i32
        %add3A_481 = arith.constant 0 : i32
        %add3A_482 = arith.addi %add3A_481, %mul3A_480 : i32
        %mul3A_483 = arith.constant 16 : i32
        %mul3A_484 = arith.muli %add3A_482, %mul3A_483 : i32
        %get3A_485 = arith.index_cast %mul3A_484 : i32 to index
        %get3A_486 = tpu.vector_load %arg8[%get3A_485] {strides = array<i32>} : memref<4096xi32, #tpu.memory_space<vmem>>, vector<16xi32>,
        %min3A_487 = arith.constant 50047 : i32
        %min3A_488 = vector.broadcast %min3A_487 : i32 to vector<16xi32>
        %min3A_489 = arith.minsi %get3A_486, %min3A_488 : vector<16xi32>
        %gather3A_490 = tpu.vector_load_idx %arg6[%min3A_489] : memref<50048xf32, #tpu.memory_space<vmem>>[vector<16xi32>], vector<16xf32>,
        %swap3A_491 = arith.index_cast %select_n3A_232 : i32 to index
        %swap3A_492 = arith.index_cast %mul3A_484 : i32 to index
        %swap3A_493 = tpu.vector_load %arg9[%swap3A_491, %swap3A_492] {strides = array<i32>} : memref<2x4096xf32, #tpu.memory_space<vmem>>, vector<16xf32>,
        tpu.vector_store %arg9[%swap3A_491, %swap3A_492], %gather3A_490 {strides = array<i32>} : memref<2x4096xf32, #tpu.memory_space<vmem>>, vector<16xf32>,
        %scan3A_494 = arith.constant 3 : i32
        %scan3A_495 = arith.addi %scan3A_448, %scan3A_494 : i32
        %mul3A_496 = arith.constant 1 : i32
        %mul3A_497 = arith.muli %scan3A_495, %mul3A_496 : i32
        %add3A_498 = arith.constant 0 : i32
        %add3A_499 = arith.addi %add3A_498, %mul3A_497 : i32
        %mul3A_500 = arith.constant 16 : i32
        %mul3A_501 = arith.muli %add3A_499, %mul3A_500 : i32
        %get3A_502 = arith.index_cast %mul3A_501 : i32 to index
        %get3A_503 = tpu.vector_load %arg8[%get3A_502] {strides = array<i32>} : memref<4096xi32, #tpu.memory_space<vmem>>, vector<16xi32>,
        %min3A_504 = arith.constant 50047 : i32
        %min3A_505 = vector.broadcast %min3A_504 : i32 to vector<16xi32>
        %min3A_506 = arith.minsi %get3A_503, %min3A_505 : vector<16xi32>
        %gather3A_507 = tpu.vector_load_idx %arg6[%min3A_506] : memref<50048xf32, #tpu.memory_space<vmem>>[vector<16xi32>], vector<16xf32>,
        %swap3A_508 = arith.index_cast %select_n3A_232 : i32 to index
        %swap3A_509 = arith.index_cast %mul3A_501 : i32 to index
        %swap3A_510 = tpu.vector_load %arg9[%swap3A_508, %swap3A_509] {strides = array<i32>} : memref<2x4096xf32, #tpu.memory_space<vmem>>, vector<16xf32>,
        tpu.vector_store %arg9[%swap3A_508, %swap3A_509], %gather3A_507 {strides = array<i32>} : memref<2x4096xf32, #tpu.memory_space<vmem>>, vector<16xf32>,
        %scan3A_511 = arith.constant 4 : i32
        %scan3A_512 = arith.addi %scan3A_448, %scan3A_511 : i32
        %mul3A_513 = arith.constant 1 : i32
        %mul3A_514 = arith.muli %scan3A_512, %mul3A_513 : i32
        %add3A_515 = arith.constant 0 : i32
        %add3A_516 = arith.addi %add3A_515, %mul3A_514 : i32
        %mul3A_517 = arith.constant 16 : i32
        %mul3A_518 = arith.muli %add3A_516, %mul3A_517 : i32
        %get3A_519 = arith.index_cast %mul3A_518 : i32 to index
        %get3A_520 = tpu.vector_load %arg8[%get3A_519] {strides = array<i32>} : memref<4096xi32, #tpu.memory_space<vmem>>, vector<16xi32>,
        %min3A_521 = arith.constant 50047 : i32
        %min3A_522 = vector.broadcast %min3A_521 : i32 to vector<16xi32>
        %min3A_523 = arith.minsi %get3A_520, %min3A_522 : vector<16xi32>
        %gather3A_524 = tpu.vector_load_idx %arg6[%min3A_523] : memref<50048xf32, #tpu.memory_space<vmem>>[vector<16xi32>], vector<16xf32>,
        %swap3A_525 = arith.index_cast %select_n3A_232 : i32 to index
        %swap3A_526 = arith.index_cast %mul3A_518 : i32 to index
        %swap3A_527 = tpu.vector_load %arg9[%swap3A_525, %swap3A_526] {strides = array<i32>} : memref<2x4096xf32, #tpu.memory_space<vmem>>, vector<16xf32>,
        tpu.vector_store %arg9[%swap3A_525, %swap3A_526], %gather3A_524 {strides = array<i32>} : memref<2x4096xf32, #tpu.memory_space<vmem>>, vector<16xf32>,
        %scan3A_528 = arith.constant 5 : i32
        %scan3A_529 = arith.addi %scan3A_448, %scan3A_528 : i32
        %mul3A_530 = arith.constant 1 : i32
        %mul3A_531 = arith.muli %scan3A_529, %mul3A_530 : i32
        %add3A_532 = arith.constant 0 : i32
        %add3A_533 = arith.addi %add3A_532, %mul3A_531 : i32
        %mul3A_534 = arith.constant 16 : i32
        %mul3A_535 = arith.muli %add3A_533, %mul3A_534 : i32
        %get3A_536 = arith.index_cast %mul3A_535 : i32 to index
        %get3A_537 = tpu.vector_load %arg8[%get3A_536] {strides = array<i32>} : memref<4096xi32, #tpu.memory_space<vmem>>, vector<16xi32>,
        %min3A_538 = arith.constant 50047 : i32
        %min3A_539 = vector.broadcast %min3A_538 : i32 to vector<16xi32>
        %min3A_540 = arith.minsi %get3A_537, %min3A_539 : vector<16xi32>
        %gather3A_541 = tpu.vector_load_idx %arg6[%min3A_540] : memref<50048xf32, #tpu.memory_space<vmem>>[vector<16xi32>], vector<16xf32>,
        %swap3A_542 = arith.index_cast %select_n3A_232 : i32 to index
        %swap3A_543 = arith.index_cast %mul3A_535 : i32 to index
        %swap3A_544 = tpu.vector_load %arg9[%swap3A_542, %swap3A_543] {strides = array<i32>} : memref<2x4096xf32, #tpu.memory_space<vmem>>, vector<16xf32>,
        tpu.vector_store %arg9[%swap3A_542, %swap3A_543], %gather3A_541 {strides = array<i32>} : memref<2x4096xf32, #tpu.memory_space<vmem>>, vector<16xf32>,
        %scan3A_545 = arith.constant 6 : i32
        %scan3A_546 = arith.addi %scan3A_448, %scan3A_545 : i32
        %mul3A_547 = arith.constant 1 : i32
        %mul3A_548 = arith.muli %scan3A_546, %mul3A_547 : i32
        %add3A_549 = arith.constant 0 : i32
        %add3A_550 = arith.addi %add3A_549, %mul3A_548 : i32
        %mul3A_551 = arith.constant 16 : i32
        %mul3A_552 = arith.muli %add3A_550, %mul3A_551 : i32
        %get3A_553 = arith.index_cast %mul3A_552 : i32 to index
        %get3A_554 = tpu.vector_load %arg8[%get3A_553] {strides = array<i32>} : memref<4096xi32, #tpu.memory_space<vmem>>, vector<16xi32>,
        %min3A_555 = arith.constant 50047 : i32
        %min3A_556 = vector.broadcast %min3A_555 : i32 to vector<16xi32>
        %min3A_557 = arith.minsi %get3A_554, %min3A_556 : vector<16xi32>
        %gather3A_558 = tpu.vector_load_idx %arg6[%min3A_557] : memref<50048xf32, #tpu.memory_space<vmem>>[vector<16xi32>], vector<16xf32>,
        %swap3A_559 = arith.index_cast %select_n3A_232 : i32 to index
        %swap3A_560 = arith.index_cast %mul3A_552 : i32 to index
        %swap3A_561 = tpu.vector_load %arg9[%swap3A_559, %swap3A_560] {strides = array<i32>} : memref<2x4096xf32, #tpu.memory_space<vmem>>, vector<16xf32>,
        tpu.vector_store %arg9[%swap3A_559, %swap3A_560], %gather3A_558 {strides = array<i32>} : memref<2x4096xf32, #tpu.memory_space<vmem>>, vector<16xf32>,
        %scan3A_562 = arith.constant 7 : i32
        %scan3A_563 = arith.addi %scan3A_448, %scan3A_562 : i32
        %mul3A_564 = arith.constant 1 : i32
        %mul3A_565 = arith.muli %scan3A_563, %mul3A_564 : i32
        %add3A_566 = arith.constant 0 : i32
        %add3A_567 = arith.addi %add3A_566, %mul3A_565 : i32
        %mul3A_568 = arith.constant 16 : i32
        %mul3A_569 = arith.muli %add3A_567, %mul3A_568 : i32
        %get3A_570 = arith.index_cast %mul3A_569 : i32 to index
        %get3A_571 = tpu.vector_load %arg8[%get3A_570] {strides = array<i32>} : memref<4096xi32, #tpu.memory_space<vmem>>, vector<16xi32>,
        %min3A_572 = arith.constant 50047 : i32
        %min3A_573 = vector.broadcast %min3A_572 : i32 to vector<16xi32>
        %min3A_574 = arith.minsi %get3A_571, %min3A_573 : vector<16xi32>
        %gather3A_575 = tpu.vector_load_idx %arg6[%min3A_574] : memref<50048xf32, #tpu.memory_space<vmem>>[vector<16xi32>], vector<16xf32>,
        %swap3A_576 = arith.index_cast %select_n3A_232 : i32 to index
        %swap3A_577 = arith.index_cast %mul3A_569 : i32 to index
        %swap3A_578 = tpu.vector_load %arg9[%swap3A_576, %swap3A_577] {strides = array<i32>} : memref<2x4096xf32, #tpu.memory_space<vmem>>, vector<16xf32>,
        tpu.vector_store %arg9[%swap3A_576, %swap3A_577], %gather3A_575 {strides = array<i32>} : memref<2x4096xf32, #tpu.memory_space<vmem>>, vector<16xf32>,
      }
      %scan3A_326 = arith.constant 256 : i32
      %add3A_327 = arith.constant 1 : i32
      %add3A_328 = arith.addi %add3A_199, %add3A_327 : i32
      %lt3A_329 = arith.constant 26 : i32
      %lt3A_330 = arith.cmpi slt, %add3A_328, %lt3A_329 : i32
      %convert_element_type3A_331 = arith.extui %lt3A_330 : i1 to i32
      %cond3A_332 = arith.constant 0 : i32
      %cond3A_333 = arith.cmpi ne, %convert_element_type3A_331, %cond3A_332 : i32
      scf.if %cond3A_333 {
        %add3A_448 = arith.constant 1 : i32
        %add3A_449 = arith.addi %add3A_200, %add3A_448 : i32
        %jit3A_450 = arith.constant 32 : i32
        %div3A_451 = arith.divsi %add3A_449, %jit3A_450 : i32
        %sign3A_452 = arith.constant 0 : i32
        %sign3A_453 = arith.cmpi sgt, %add3A_449, %sign3A_452 : i32
        %sign3A_454 = arith.extui %sign3A_453 : i1 to i32
        %sign3A_455 = arith.constant 0 : i32
        %sign3A_456 = arith.cmpi slt, %add3A_449, %sign3A_455 : i32
        %sign3A_457 = arith.extui %sign3A_456 : i1 to i32
        %sign3A_458 = arith.subi %sign3A_454, %sign3A_457 : i32
        %sign3A_459 = arith.constant 0 : i32
        %sign3A_460 = arith.cmpi sgt, %jit3A_450, %sign3A_459 : i32
        %sign3A_461 = arith.extui %sign3A_460 : i1 to i32
        %sign3A_462 = arith.constant 0 : i32
        %sign3A_463 = arith.cmpi slt, %jit3A_450, %sign3A_462 : i32
        %sign3A_464 = arith.extui %sign3A_463 : i1 to i32
        %sign3A_465 = arith.subi %sign3A_461, %sign3A_464 : i32
        %ne3A_466 = arith.cmpi ne, %sign3A_458, %sign3A_465 : i32
        %rem3A_467 = arith.remsi %add3A_449, %jit3A_450 : i32
        %ne3A_468 = arith.constant 0 : i32
        %ne3A_469 = arith.cmpi ne, %rem3A_467, %ne3A_468 : i32
        %and3A_470 = arith.andi %ne3A_466, %ne3A_469 : i1
        %sub3A_471 = arith.constant 1 : i32
        %sub3A_472 = arith.subi %div3A_451, %sub3A_471 : i32
        %select_n3A_473 = arith.select %and3A_470, %sub3A_472, %div3A_451 : i32
        %jit3A_474 = arith.constant 32 : i32
        %eq3A_475 = arith.constant 0 : i32
        %eq3A_476 = arith.cmpi eq, %jit3A_474, %eq3A_475 : i32
        %jit3A_477 = arith.constant 1 : i32
        %select_n3A_478 = arith.select %eq3A_476, %jit3A_477, %jit3A_474 : i32
        %rem3A_479 = arith.remsi %add3A_449, %select_n3A_478 : i32
        %ne3A_480 = arith.constant 0 : i32
        %ne3A_481 = arith.cmpi ne, %rem3A_479, %ne3A_480 : i32
        %lt3A_482 = arith.constant 0 : i32
        %lt3A_483 = arith.cmpi slt, %rem3A_479, %lt3A_482 : i32
        %lt3A_484 = arith.constant 0 : i32
        %lt3A_485 = arith.cmpi slt, %select_n3A_478, %lt3A_484 : i32
        %ne3A_486 = arith.xori %lt3A_483, %lt3A_485 : i1
        %and3A_487 = arith.andi %ne3A_486, %ne3A_481 : i1
        %add3A_488 = arith.addi %rem3A_479, %select_n3A_478 : i32
        %select_n3A_489 = arith.select %and3A_487, %add3A_488, %rem3A_479 : i32
        %dma_start3A_490 = arith.constant 0 : i32
        %dma_start3A_491 = tpu.memref_slice %arg6[%dma_start3A_490] : memref<50048xf32, #tpu.memory_space<vmem>> -> memref<12544xf32, #tpu.memory_space<vmem>>
        %dma_start3A_492 = arith.constant 0 : i32
        %dma_start3A_493 = tpu.memref_slice %arg3[%select_n3A_473, %select_n3A_489, %dma_start3A_492] : memref<26x32x100000xf32, #tpu.memory_space<hbm>> -> memref<1x1x12544xf32, #tpu.memory_space<hbm>>
        %dma_start3A_494 = tpu.memref_squeeze %dma_start3A_493 : memref<1x1x12544xf32, #tpu.memory_space<hbm>> -> memref<12544xf32, #tpu.memory_space<hbm>>
        %dma_start3A_495 = arith.constant 0 : i32
        %dma_start3A_496 = tpu.memref_slice %arg6[%dma_start3A_495] : memref<50048xf32, #tpu.memory_space<vmem>> -> memref<12544xf32, #tpu.memory_space<vmem>>
        %dma_start3A_497 = arith.constant 0 : i32
        %dma_start3A_498 = tpu.memref_slice %arg3[%select_n3A_473, %select_n3A_489, %dma_start3A_497] : memref<26x32x100000xf32, #tpu.memory_space<hbm>> -> memref<1x1x12544xf32, #tpu.memory_space<hbm>>
        %dma_start3A_499 = tpu.memref_squeeze %dma_start3A_498 : memref<1x1x12544xf32, #tpu.memory_space<hbm>> -> memref<12544xf32, #tpu.memory_space<hbm>>
        tpu.enqueue_dma source(%dma_start3A_499 : memref<12544xf32, #tpu.memory_space<hbm>>) target(%dma_start3A_496 : memref<12544xf32, #tpu.memory_space<vmem>>) target_semaphore(%arg10 : memref<!tpu.dma_semaphore, #tpu.memory_space<semaphore_mem>>)
        %dma_start3A_500 = arith.constant 12544 : i32
        %dma_start3A_501 = tpu.memref_slice %arg6[%dma_start3A_500] : memref<50048xf32, #tpu.memory_space<vmem>> -> memref<12544xf32, #tpu.memory_space<vmem>>
        %dma_start3A_502 = arith.constant 12544 : i32
        %dma_start3A_503 = tpu.memref_slice %arg3[%select_n3A_473, %select_n3A_489, %dma_start3A_502] : memref<26x32x100000xf32, #tpu.memory_space<hbm>> -> memref<1x1x12544xf32, #tpu.memory_space<hbm>>
        %dma_start3A_504 = tpu.memref_squeeze %dma_start3A_503 : memref<1x1x12544xf32, #tpu.memory_space<hbm>> -> memref<12544xf32, #tpu.memory_space<hbm>>
        %dma_start3A_505 = arith.constant 12544 : i32
        %dma_start3A_506 = tpu.memref_slice %arg6[%dma_start3A_505] : memref<50048xf32, #tpu.memory_space<vmem>> -> memref<12544xf32, #tpu.memory_space<vmem>>
        %dma_start3A_507 = arith.constant 12544 : i32
        %dma_start3A_508 = tpu.memref_slice %arg3[%select_n3A_473, %select_n3A_489, %dma_start3A_507] : memref<26x32x100000xf32, #tpu.memory_space<hbm>> -> memref<1x1x12544xf32, #tpu.memory_space<hbm>>
        %dma_start3A_509 = tpu.memref_squeeze %dma_start3A_508 : memref<1x1x12544xf32, #tpu.memory_space<hbm>> -> memref<12544xf32, #tpu.memory_space<hbm>>
        tpu.enqueue_dma source(%dma_start3A_509 : memref<12544xf32, #tpu.memory_space<hbm>>) target(%dma_start3A_506 : memref<12544xf32, #tpu.memory_space<vmem>>) target_semaphore(%arg10 : memref<!tpu.dma_semaphore, #tpu.memory_space<semaphore_mem>>)
        %dma_start3A_510 = arith.constant 25088 : i32
        %dma_start3A_511 = tpu.memref_slice %arg6[%dma_start3A_510] : memref<50048xf32, #tpu.memory_space<vmem>> -> memref<12544xf32, #tpu.memory_space<vmem>>
        %dma_start3A_512 = arith.constant 25088 : i32
        %dma_start3A_513 = tpu.memref_slice %arg3[%select_n3A_473, %select_n3A_489, %dma_start3A_512] : memref<26x32x100000xf32, #tpu.memory_space<hbm>> -> memref<1x1x12544xf32, #tpu.memory_space<hbm>>
        %dma_start3A_514 = tpu.memref_squeeze %dma_start3A_513 : memref<1x1x12544xf32, #tpu.memory_space<hbm>> -> memref<12544xf32, #tpu.memory_space<hbm>>
        %dma_start3A_515 = arith.constant 25088 : i32
        %dma_start3A_516 = tpu.memref_slice %arg6[%dma_start3A_515] : memref<50048xf32, #tpu.memory_space<vmem>> -> memref<12544xf32, #tpu.memory_space<vmem>>
        %dma_start3A_517 = arith.constant 25088 : i32
        %dma_start3A_518 = tpu.memref_slice %arg3[%select_n3A_473, %select_n3A_489, %dma_start3A_517] : memref<26x32x100000xf32, #tpu.memory_space<hbm>> -> memref<1x1x12544xf32, #tpu.memory_space<hbm>>
        %dma_start3A_519 = tpu.memref_squeeze %dma_start3A_518 : memref<1x1x12544xf32, #tpu.memory_space<hbm>> -> memref<12544xf32, #tpu.memory_space<hbm>>
        tpu.enqueue_dma source(%dma_start3A_519 : memref<12544xf32, #tpu.memory_space<hbm>>) target(%dma_start3A_516 : memref<12544xf32, #tpu.memory_space<vmem>>) target_semaphore(%arg10 : memref<!tpu.dma_semaphore, #tpu.memory_space<semaphore_mem>>)
        %dma_start3A_520 = arith.constant 37632 : i32
        %dma_start3A_521 = tpu.memref_slice %arg6[%dma_start3A_520] : memref<50048xf32, #tpu.memory_space<vmem>> -> memref<12416xf32, #tpu.memory_space<vmem>>
        %dma_start3A_522 = arith.constant 37632 : i32
        %dma_start3A_523 = tpu.memref_slice %arg3[%select_n3A_473, %select_n3A_489, %dma_start3A_522] : memref<26x32x100000xf32, #tpu.memory_space<hbm>> -> memref<1x1x12416xf32, #tpu.memory_space<hbm>>
        %dma_start3A_524 = tpu.memref_squeeze %dma_start3A_523 : memref<1x1x12416xf32, #tpu.memory_space<hbm>> -> memref<12416xf32, #tpu.memory_space<hbm>>
        %dma_start3A_525 = arith.constant 37632 : i32
        %dma_start3A_526 = tpu.memref_slice %arg6[%dma_start3A_525] : memref<50048xf32, #tpu.memory_space<vmem>> -> memref<12416xf32, #tpu.memory_space<vmem>>
        %dma_start3A_527 = arith.constant 37632 : i32
        %dma_start3A_528 = tpu.memref_slice %arg3[%select_n3A_473, %select_n3A_489, %dma_start3A_527] : memref<26x32x100000xf32, #tpu.memory_space<hbm>> -> memref<1x1x12416xf32, #tpu.memory_space<hbm>>
        %dma_start3A_529 = tpu.memref_squeeze %dma_start3A_528 : memref<1x1x12416xf32, #tpu.memory_space<hbm>> -> memref<12416xf32, #tpu.memory_space<hbm>>
        tpu.enqueue_dma source(%dma_start3A_529 : memref<12416xf32, #tpu.memory_space<hbm>>) target(%dma_start3A_526 : memref<12416xf32, #tpu.memory_space<vmem>>) target_semaphore(%arg10 : memref<!tpu.dma_semaphore, #tpu.memory_space<semaphore_mem>>)
      } else {
      }
      %jit3A_334 = arith.constant 32 : i32
      %div3A_335 = arith.divsi %add3A_200, %jit3A_334 : i32
      %sign3A_336 = arith.constant 0 : i32
      %sign3A_337 = arith.cmpi sgt, %add3A_200, %sign3A_336 : i32
      %sign3A_338 = arith.extui %sign3A_337 : i1 to i32
      %sign3A_339 = arith.constant 0 : i32
      %sign3A_340 = arith.cmpi slt, %add3A_200, %sign3A_339 : i32
      %sign3A_341 = arith.extui %sign3A_340 : i1 to i32
      %sign3A_342 = arith.subi %sign3A_338, %sign3A_341 : i32
      %sign3A_343 = arith.constant 0 : i32
      %sign3A_344 = arith.cmpi sgt, %jit3A_334, %sign3A_343 : i32
      %sign3A_345 = arith.extui %sign3A_344 : i1 to i32
      %sign3A_346 = arith.constant 0 : i32
      %sign3A_347 = arith.cmpi slt, %jit3A_334, %sign3A_346 : i32
      %sign3A_348 = arith.extui %sign3A_347 : i1 to i32
      %sign3A_349 = arith.subi %sign3A_345, %sign3A_348 : i32
      %ne3A_350 = arith.cmpi ne, %sign3A_342, %sign3A_349 : i32
      %rem3A_351 = arith.remsi %add3A_200, %jit3A_334 : i32
      %ne3A_352 = arith.constant 0 : i32
      %ne3A_353 = arith.cmpi ne, %rem3A_351, %ne3A_352 : i32
      %and3A_354 = arith.andi %ne3A_350, %ne3A_353 : i1
      %sub3A_355 = arith.constant 1 : i32
      %sub3A_356 = arith.subi %div3A_335, %sub3A_355 : i32
      %select_n3A_357 = arith.select %and3A_354, %sub3A_356, %div3A_335 : i32
      %jit3A_358 = arith.constant 32 : i32
      %eq3A_359 = arith.constant 0 : i32
      %eq3A_360 = arith.cmpi eq, %jit3A_358, %eq3A_359 : i32
      %jit3A_361 = arith.constant 1 : i32
      %select_n3A_362 = arith.select %eq3A_360, %jit3A_361, %jit3A_358 : i32
      %rem3A_363 = arith.remsi %add3A_200, %select_n3A_362 : i32
      %ne3A_364 = arith.constant 0 : i32
      %ne3A_365 = arith.cmpi ne, %rem3A_363, %ne3A_364 : i32
      %lt3A_366 = arith.constant 0 : i32
      %lt3A_367 = arith.cmpi slt, %rem3A_363, %lt3A_366 : i32
      %lt3A_368 = arith.constant 0 : i32
      %lt3A_369 = arith.cmpi slt, %select_n3A_362, %lt3A_368 : i32
      %ne3A_370 = arith.xori %lt3A_367, %lt3A_369 : i1
      %and3A_371 = arith.andi %ne3A_370, %ne3A_365 : i1
      %add3A_372 = arith.addi %rem3A_363, %select_n3A_362 : i32
      %select_n3A_373 = arith.select %and3A_371, %add3A_372, %rem3A_363 : i32
      %dma_wait3A_374 = arith.constant 0 : i32
      %dma_wait3A_375 = tpu.memref_slice %arg7[%dma_wait3A_374] : memref<50048xf32, #tpu.memory_space<vmem>> -> memref<12544xf32, #tpu.memory_space<vmem>>
      %dma_wait3A_376 = arith.constant 50048 : i32
      %dma_wait3A_377 = tpu.memref_slice %arg3[%select_n3A_357, %select_n3A_373, %dma_wait3A_376] : memref<26x32x100000xf32, #tpu.memory_space<hbm>> -> memref<1x1x12544xf32, #tpu.memory_space<hbm>>
      %dma_wait3A_378 = tpu.memref_squeeze %dma_wait3A_377 : memref<1x1x12544xf32, #tpu.memory_space<hbm>> -> memref<12544xf32, #tpu.memory_space<hbm>>
      %dma_wait3A_379 = arith.constant 0 : i32
      %dma_wait3A_380 = tpu.memref_slice %arg7[%dma_wait3A_379] : memref<50048xf32, #tpu.memory_space<vmem>> -> memref<12544xf32, #tpu.memory_space<vmem>>
      %dma_wait3A_381 = arith.constant 50048 : i32
      %dma_wait3A_382 = tpu.memref_slice %arg3[%select_n3A_357, %select_n3A_373, %dma_wait3A_381] : memref<26x32x100000xf32, #tpu.memory_space<hbm>> -> memref<1x1x12544xf32, #tpu.memory_space<hbm>>
      %dma_wait3A_383 = tpu.memref_squeeze %dma_wait3A_382 : memref<1x1x12544xf32, #tpu.memory_space<hbm>> -> memref<12544xf32, #tpu.memory_space<hbm>>
      tpu.wait_dma2 semaphore(%arg11 : memref<!tpu.dma_semaphore, #tpu.memory_space<semaphore_mem>>) src(%dma_wait3A_383 : memref<12544xf32, #tpu.memory_space<hbm>>) dst(%dma_wait3A_380 : memref<12544xf32, #tpu.memory_space<vmem>>)
      %dma_wait3A_384 = arith.constant 12544 : i32
      %dma_wait3A_385 = tpu.memref_slice %arg7[%dma_wait3A_384] : memref<50048xf32, #tpu.memory_space<vmem>> -> memref<12544xf32, #tpu.memory_space<vmem>>
      %dma_wait3A_386 = arith.constant 62592 : i32
      %dma_wait3A_387 = tpu.memref_slice %arg3[%select_n3A_357, %select_n3A_373, %dma_wait3A_386] : memref<26x32x100000xf32, #tpu.memory_space<hbm>> -> memref<1x1x12544xf32, #tpu.memory_space<hbm>>
      %dma_wait3A_388 = tpu.memref_squeeze %dma_wait3A_387 : memref<1x1x12544xf32, #tpu.memory_space<hbm>> -> memref<12544xf32, #tpu.memory_space<hbm>>
      %dma_wait3A_389 = arith.constant 12544 : i32
      %dma_wait3A_390 = tpu.memref_slice %arg7[%dma_wait3A_389] : memref<50048xf32, #tpu.memory_space<vmem>> -> memref<12544xf32, #tpu.memory_space<vmem>>
      %dma_wait3A_391 = arith.constant 62592 : i32
      %dma_wait3A_392 = tpu.memref_slice %arg3[%select_n3A_357, %select_n3A_373, %dma_wait3A_391] : memref<26x32x100000xf32, #tpu.memory_space<hbm>> -> memref<1x1x12544xf32, #tpu.memory_space<hbm>>
      %dma_wait3A_393 = tpu.memref_squeeze %dma_wait3A_392 : memref<1x1x12544xf32, #tpu.memory_space<hbm>> -> memref<12544xf32, #tpu.memory_space<hbm>>
      tpu.wait_dma2 semaphore(%arg11 : memref<!tpu.dma_semaphore, #tpu.memory_space<semaphore_mem>>) src(%dma_wait3A_393 : memref<12544xf32, #tpu.memory_space<hbm>>) dst(%dma_wait3A_390 : memref<12544xf32, #tpu.memory_space<vmem>>)
      %dma_wait3A_394 = arith.constant 25088 : i32
      %dma_wait3A_395 = tpu.memref_slice %arg7[%dma_wait3A_394] : memref<50048xf32, #tpu.memory_space<vmem>> -> memref<12544xf32, #tpu.memory_space<vmem>>
      %dma_wait3A_396 = arith.constant 75136 : i32
      %dma_wait3A_397 = tpu.memref_slice %arg3[%select_n3A_357, %select_n3A_373, %dma_wait3A_396] : memref<26x32x100000xf32, #tpu.memory_space<hbm>> -> memref<1x1x12544xf32, #tpu.memory_space<hbm>>
      %dma_wait3A_398 = tpu.memref_squeeze %dma_wait3A_397 : memref<1x1x12544xf32, #tpu.memory_space<hbm>> -> memref<12544xf32, #tpu.memory_space<hbm>>
      %dma_wait3A_399 = arith.constant 25088 : i32
      %dma_wait3A_400 = tpu.memref_slice %arg7[%dma_wait3A_399] : memref<50048xf32, #tpu.memory_space<vmem>> -> memref<12544xf32, #tpu.memory_space<vmem>>
      %dma_wait3A_401 = arith.constant 75136 : i32
      %dma_wait3A_402 = tpu.memref_slice %arg3[%select_n3A_357, %select_n3A_373, %dma_wait3A_401] : memref<26x32x100000xf32, #tpu.memory_space<hbm>> -> memref<1x1x12544xf32, #tpu.memory_space<hbm>>
      %dma_wait3A_403 = tpu.memref_squeeze %dma_wait3A_402 : memref<1x1x12544xf32, #tpu.memory_space<hbm>> -> memref<12544xf32, #tpu.memory_space<hbm>>
      tpu.wait_dma2 semaphore(%arg11 : memref<!tpu.dma_semaphore, #tpu.memory_space<semaphore_mem>>) src(%dma_wait3A_403 : memref<12544xf32, #tpu.memory_space<hbm>>) dst(%dma_wait3A_400 : memref<12544xf32, #tpu.memory_space<vmem>>)
      %dma_wait3A_404 = arith.constant 37632 : i32
      %dma_wait3A_405 = tpu.memref_slice %arg7[%dma_wait3A_404] : memref<50048xf32, #tpu.memory_space<vmem>> -> memref<12288xf32, #tpu.memory_space<vmem>>
      %dma_wait3A_406 = arith.constant 87680 : i32
      %dma_wait3A_407 = tpu.memref_slice %arg3[%select_n3A_357, %select_n3A_373, %dma_wait3A_406] : memref<26x32x100000xf32, #tpu.memory_space<hbm>> -> memref<1x1x12288xf32, #tpu.memory_space<hbm>>
      %dma_wait3A_408 = tpu.memref_squeeze %dma_wait3A_407 : memref<1x1x12288xf32, #tpu.memory_space<hbm>> -> memref<12288xf32, #tpu.memory_space<hbm>>
      %dma_wait3A_409 = arith.constant 37632 : i32
      %dma_wait3A_410 = tpu.memref_slice %arg7[%dma_wait3A_409] : memref<50048xf32, #tpu.memory_space<vmem>> -> memref<12288xf32, #tpu.memory_space<vmem>>
      %dma_wait3A_411 = arith.constant 87680 : i32
      %dma_wait3A_412 = tpu.memref_slice %arg3[%select_n3A_357, %select_n3A_373, %dma_wait3A_411] : memref<26x32x100000xf32, #tpu.memory_space<hbm>> -> memref<1x1x12288xf32, #tpu.memory_space<hbm>>
      %dma_wait3A_413 = tpu.memref_squeeze %dma_wait3A_412 : memref<1x1x12288xf32, #tpu.memory_space<hbm>> -> memref<12288xf32, #tpu.memory_space<hbm>>
      tpu.wait_dma2 semaphore(%arg11 : memref<!tpu.dma_semaphore, #tpu.memory_space<semaphore_mem>>) src(%dma_wait3A_413 : memref<12288xf32, #tpu.memory_space<hbm>>) dst(%dma_wait3A_410 : memref<12288xf32, #tpu.memory_space<vmem>>)
      %dma_wait3A_414 = arith.constant 49920 : i32
      %dma_wait3A_415 = tpu.memref_slice %arg7[%dma_wait3A_414] : memref<50048xf32, #tpu.memory_space<vmem>> -> memref<128xf32, #tpu.memory_space<vmem>>
      %dma_wait3A_416 = arith.constant 0 : i32
      %dma_wait3A_417 = tpu.memref_slice %arg4[%select_n3A_357, %select_n3A_373, %dma_wait3A_416] : memref<26x32x128xf32, #tpu.memory_space<hbm>> -> memref<1x1x128xf32, #tpu.memory_space<hbm>>
      %dma_wait3A_418 = tpu.memref_squeeze %dma_wait3A_417 : memref<1x1x128xf32, #tpu.memory_space<hbm>> -> memref<128xf32, #tpu.memory_space<hbm>>
      %dma_wait3A_419 = arith.constant 49920 : i32
      %dma_wait3A_420 = tpu.memref_slice %arg7[%dma_wait3A_419] : memref<50048xf32, #tpu.memory_space<vmem>> -> memref<128xf32, #tpu.memory_space<vmem>>
      %dma_wait3A_421 = arith.constant 0 : i32
      %dma_wait3A_422 = tpu.memref_slice %arg4[%select_n3A_357, %select_n3A_373, %dma_wait3A_421] : memref<26x32x128xf32, #tpu.memory_space<hbm>> -> memref<1x1x128xf32, #tpu.memory_space<hbm>>
      %dma_wait3A_423 = tpu.memref_squeeze %dma_wait3A_422 : memref<1x1x128xf32, #tpu.memory_space<hbm>> -> memref<128xf32, #tpu.memory_space<hbm>>
      tpu.wait_dma2 semaphore(%arg11 : memref<!tpu.dma_semaphore, #tpu.memory_space<semaphore_mem>>) src(%dma_wait3A_423 : memref<128xf32, #tpu.memory_space<hbm>>) dst(%dma_wait3A_420 : memref<128xf32, #tpu.memory_space<vmem>>)
      %scan3A_424 = arith.constant 0 : i32
      %scan3A_425 = arith.constant 256 : i32
      %scan3A_426 = arith.addi %scan3A_424, %scan3A_425 : i32
      %scan3A_427 = arith.constant 8 : i32
      scf.for %scan3A_448 = %scan3A_424 to %scan3A_426 step %scan3A_427  : i32 {
        %mul3A_449 = arith.constant 1 : i32
        %mul3A_450 = arith.muli %scan3A_448, %mul3A_449 : i32
        %add3A_451 = arith.constant 0 : i32
        %add3A_452 = arith.addi %add3A_451, %mul3A_450 : i32
        %mul3A_453 = arith.constant 16 : i32
        %mul3A_454 = arith.muli %add3A_452, %mul3A_453 : i32
        %get3A = arith.index_cast %mul3A_454 : i32 to index
        %get3A_455 = tpu.vector_load %arg8[%get3A] {strides = array<i32>} : memref<4096xi32, #tpu.memory_space<vmem>>, vector<16xi32>,
        %sub3A_456 = arith.constant 50048 : i32
        %sub3A_457 = vector.broadcast %sub3A_456 : i32 to vector<16xi32>
        %sub3A_458 = arith.subi %get3A_455, %sub3A_457 : vector<16xi32>
        %max3A = arith.constant 0 : i32
        %max3A_459 = vector.broadcast %max3A : i32 to vector<16xi32>
        %max3A_460 = arith.maxsi %sub3A_458, %max3A_459 : vector<16xi32>
        %gather3A = tpu.vector_load_idx %arg7[%max3A_460] : memref<50048xf32, #tpu.memory_space<vmem>>[vector<16xi32>], vector<16xf32>,
        %ge3A_461 = arith.constant 50048 : i32
        %ge3A_462 = vector.broadcast %ge3A_461 : i32 to vector<16xi32>
        %ge3A_463 = arith.cmpi sge, %get3A_455, %ge3A_462 : vector<16xi32>
        %get3A_464 = arith.index_cast %select_n3A_232 : i32 to index
        %get3A_465 = arith.index_cast %mul3A_454 : i32 to index
        %get3A_466 = tpu.vector_load %arg9[%get3A_464, %get3A_465] {strides = array<i32>} : memref<2x4096xf32, #tpu.memory_space<vmem>>, vector<16xf32>,
        %select_n3A_467 = arith.select %ge3A_463, %gather3A, %get3A_466 : vector<16xi1>, vector<16xf32>
        %swap3A = arith.index_cast %select_n3A_232 : i32 to index
        %swap3A_468 = arith.index_cast %mul3A_454 : i32 to index
        %swap3A_469 = tpu.vector_load %arg9[%swap3A, %swap3A_468] {strides = array<i32>} : memref<2x4096xf32, #tpu.memory_space<vmem>>, vector<16xf32>,
        tpu.vector_store %arg9[%swap3A, %swap3A_468], %select_n3A_467 {strides = array<i32>} : memref<2x4096xf32, #tpu.memory_space<vmem>>, vector<16xf32>,
        %scan3A_470 = arith.constant 1 : i32
        %scan3A_471 = arith.addi %scan3A_448, %scan3A_470 : i32
        %mul3A_472 = arith.constant 1 : i32
        %mul3A_473 = arith.muli %scan3A_471, %mul3A_472 : i32
        %add3A_474 = arith.constant 0 : i32
        %add3A_475 = arith.addi %add3A_474, %mul3A_473 : i32
        %mul3A_476 = arith.constant 16 : i32
        %mul3A_477 = arith.muli %add3A_475, %mul3A_476 : i32
        %get3A_478 = arith.index_cast %mul3A_477 : i32 to index
        %get3A_479 = tpu.vector_load %arg8[%get3A_478] {strides = array<i32>} : memref<4096xi32, #tpu.memory_space<vmem>>, vector<16xi32>,
        %sub3A_480 = arith.constant 50048 : i32
        %sub3A_481 = vector.broadcast %sub3A_480 : i32 to vector<16xi32>
        %sub3A_482 = arith.subi %get3A_479, %sub3A_481 : vector<16xi32>
        %max3A_483 = arith.constant 0 : i32
        %max3A_484 = vector.broadcast %max3A_483 : i32 to vector<16xi32>
        %max3A_485 = arith.maxsi %sub3A_482, %max3A_484 : vector<16xi32>
        %gather3A_486 = tpu.vector_load_idx %arg7[%max3A_485] : memref<50048xf32, #tpu.memory_space<vmem>>[vector<16xi32>], vector<16xf32>,
        %ge3A_487 = arith.constant 50048 : i32
        %ge3A_488 = vector.broadcast %ge3A_487 : i32 to vector<16xi32>
        %ge3A_489 = arith.cmpi sge, %get3A_479, %ge3A_488 : vector<16xi32>
        %get3A_490 = arith.index_cast %select_n3A_232 : i32 to index
        %get3A_491 = arith.index_cast %mul3A_477 : i32 to index
        %get3A_492 = tpu.vector_load %arg9[%get3A_490, %get3A_491] {strides = array<i32>} : memref<2x4096xf32, #tpu.memory_space<vmem>>, vector<16xf32>,
        %select_n3A_493 = arith.select %ge3A_489, %gather3A_486, %get3A_492 : vector<16xi1>, vector<16xf32>
        %swap3A_494 = arith.index_cast %select_n3A_232 : i32 to index
        %swap3A_495 = arith.index_cast %mul3A_477 : i32 to index
        %swap3A_496 = tpu.vector_load %arg9[%swap3A_494, %swap3A_495] {strides = array<i32>} : memref<2x4096xf32, #tpu.memory_space<vmem>>, vector<16xf32>,
        tpu.vector_store %arg9[%swap3A_494, %swap3A_495], %select_n3A_493 {strides = array<i32>} : memref<2x4096xf32, #tpu.memory_space<vmem>>, vector<16xf32>,
        %scan3A_497 = arith.constant 2 : i32
        %scan3A_498 = arith.addi %scan3A_448, %scan3A_497 : i32
        %mul3A_499 = arith.constant 1 : i32
        %mul3A_500 = arith.muli %scan3A_498, %mul3A_499 : i32
        %add3A_501 = arith.constant 0 : i32
        %add3A_502 = arith.addi %add3A_501, %mul3A_500 : i32
        %mul3A_503 = arith.constant 16 : i32
        %mul3A_504 = arith.muli %add3A_502, %mul3A_503 : i32
        %get3A_505 = arith.index_cast %mul3A_504 : i32 to index
        %get3A_506 = tpu.vector_load %arg8[%get3A_505] {strides = array<i32>} : memref<4096xi32, #tpu.memory_space<vmem>>, vector<16xi32>,
        %sub3A_507 = arith.constant 50048 : i32
        %sub3A_508 = vector.broadcast %sub3A_507 : i32 to vector<16xi32>
        %sub3A_509 = arith.subi %get3A_506, %sub3A_508 : vector<16xi32>
        %max3A_510 = arith.constant 0 : i32
        %max3A_511 = vector.broadcast %max3A_510 : i32 to vector<16xi32>
        %max3A_512 = arith.maxsi %sub3A_509, %max3A_511 : vector<16xi32>
        %gather3A_513 = tpu.vector_load_idx %arg7[%max3A_512] : memref<50048xf32, #tpu.memory_space<vmem>>[vector<16xi32>], vector<16xf32>,
        %ge3A_514 = arith.constant 50048 : i32
        %ge3A_515 = vector.broadcast %ge3A_514 : i32 to vector<16xi32>
        %ge3A_516 = arith.cmpi sge, %get3A_506, %ge3A_515 : vector<16xi32>
        %get3A_517 = arith.index_cast %select_n3A_232 : i32 to index
        %get3A_518 = arith.index_cast %mul3A_504 : i32 to index
        %get3A_519 = tpu.vector_load %arg9[%get3A_517, %get3A_518] {strides = array<i32>} : memref<2x4096xf32, #tpu.memory_space<vmem>>, vector<16xf32>,
        %select_n3A_520 = arith.select %ge3A_516, %gather3A_513, %get3A_519 : vector<16xi1>, vector<16xf32>
        %swap3A_521 = arith.index_cast %select_n3A_232 : i32 to index
        %swap3A_522 = arith.index_cast %mul3A_504 : i32 to index
        %swap3A_523 = tpu.vector_load %arg9[%swap3A_521, %swap3A_522] {strides = array<i32>} : memref<2x4096xf32, #tpu.memory_space<vmem>>, vector<16xf32>,
        tpu.vector_store %arg9[%swap3A_521, %swap3A_522], %select_n3A_520 {strides = array<i32>} : memref<2x4096xf32, #tpu.memory_space<vmem>>, vector<16xf32>,
        %scan3A_524 = arith.constant 3 : i32
        %scan3A_525 = arith.addi %scan3A_448, %scan3A_524 : i32
        %mul3A_526 = arith.constant 1 : i32
        %mul3A_527 = arith.muli %scan3A_525, %mul3A_526 : i32
        %add3A_528 = arith.constant 0 : i32
        %add3A_529 = arith.addi %add3A_528, %mul3A_527 : i32
        %mul3A_530 = arith.constant 16 : i32
        %mul3A_531 = arith.muli %add3A_529, %mul3A_530 : i32
        %get3A_532 = arith.index_cast %mul3A_531 : i32 to index
        %get3A_533 = tpu.vector_load %arg8[%get3A_532] {strides = array<i32>} : memref<4096xi32, #tpu.memory_space<vmem>>, vector<16xi32>,
        %sub3A_534 = arith.constant 50048 : i32
        %sub3A_535 = vector.broadcast %sub3A_534 : i32 to vector<16xi32>
        %sub3A_536 = arith.subi %get3A_533, %sub3A_535 : vector<16xi32>
        %max3A_537 = arith.constant 0 : i32
        %max3A_538 = vector.broadcast %max3A_537 : i32 to vector<16xi32>
        %max3A_539 = arith.maxsi %sub3A_536, %max3A_538 : vector<16xi32>
        %gather3A_540 = tpu.vector_load_idx %arg7[%max3A_539] : memref<50048xf32, #tpu.memory_space<vmem>>[vector<16xi32>], vector<16xf32>,
        %ge3A_541 = arith.constant 50048 : i32
        %ge3A_542 = vector.broadcast %ge3A_541 : i32 to vector<16xi32>
        %ge3A_543 = arith.cmpi sge, %get3A_533, %ge3A_542 : vector<16xi32>
        %get3A_544 = arith.index_cast %select_n3A_232 : i32 to index
        %get3A_545 = arith.index_cast %mul3A_531 : i32 to index
        %get3A_546 = tpu.vector_load %arg9[%get3A_544, %get3A_545] {strides = array<i32>} : memref<2x4096xf32, #tpu.memory_space<vmem>>, vector<16xf32>,
        %select_n3A_547 = arith.select %ge3A_543, %gather3A_540, %get3A_546 : vector<16xi1>, vector<16xf32>
        %swap3A_548 = arith.index_cast %select_n3A_232 : i32 to index
        %swap3A_549 = arith.index_cast %mul3A_531 : i32 to index
        %swap3A_550 = tpu.vector_load %arg9[%swap3A_548, %swap3A_549] {strides = array<i32>} : memref<2x4096xf32, #tpu.memory_space<vmem>>, vector<16xf32>,
        tpu.vector_store %arg9[%swap3A_548, %swap3A_549], %select_n3A_547 {strides = array<i32>} : memref<2x4096xf32, #tpu.memory_space<vmem>>, vector<16xf32>,
        %scan3A_551 = arith.constant 4 : i32
        %scan3A_552 = arith.addi %scan3A_448, %scan3A_551 : i32
        %mul3A_553 = arith.constant 1 : i32
        %mul3A_554 = arith.muli %scan3A_552, %mul3A_553 : i32
        %add3A_555 = arith.constant 0 : i32
        %add3A_556 = arith.addi %add3A_555, %mul3A_554 : i32
        %mul3A_557 = arith.constant 16 : i32
        %mul3A_558 = arith.muli %add3A_556, %mul3A_557 : i32
        %get3A_559 = arith.index_cast %mul3A_558 : i32 to index
        %get3A_560 = tpu.vector_load %arg8[%get3A_559] {strides = array<i32>} : memref<4096xi32, #tpu.memory_space<vmem>>, vector<16xi32>,
        %sub3A_561 = arith.constant 50048 : i32
        %sub3A_562 = vector.broadcast %sub3A_561 : i32 to vector<16xi32>
        %sub3A_563 = arith.subi %get3A_560, %sub3A_562 : vector<16xi32>
        %max3A_564 = arith.constant 0 : i32
        %max3A_565 = vector.broadcast %max3A_564 : i32 to vector<16xi32>
        %max3A_566 = arith.maxsi %sub3A_563, %max3A_565 : vector<16xi32>
        %gather3A_567 = tpu.vector_load_idx %arg7[%max3A_566] : memref<50048xf32, #tpu.memory_space<vmem>>[vector<16xi32>], vector<16xf32>,
        %ge3A_568 = arith.constant 50048 : i32
        %ge3A_569 = vector.broadcast %ge3A_568 : i32 to vector<16xi32>
        %ge3A_570 = arith.cmpi sge, %get3A_560, %ge3A_569 : vector<16xi32>
        %get3A_571 = arith.index_cast %select_n3A_232 : i32 to index
        %get3A_572 = arith.index_cast %mul3A_558 : i32 to index
        %get3A_573 = tpu.vector_load %arg9[%get3A_571, %get3A_572] {strides = array<i32>} : memref<2x4096xf32, #tpu.memory_space<vmem>>, vector<16xf32>,
        %select_n3A_574 = arith.select %ge3A_570, %gather3A_567, %get3A_573 : vector<16xi1>, vector<16xf32>
        %swap3A_575 = arith.index_cast %select_n3A_232 : i32 to index
        %swap3A_576 = arith.index_cast %mul3A_558 : i32 to index
        %swap3A_577 = tpu.vector_load %arg9[%swap3A_575, %swap3A_576] {strides = array<i32>} : memref<2x4096xf32, #tpu.memory_space<vmem>>, vector<16xf32>,
        tpu.vector_store %arg9[%swap3A_575, %swap3A_576], %select_n3A_574 {strides = array<i32>} : memref<2x4096xf32, #tpu.memory_space<vmem>>, vector<16xf32>,
        %scan3A_578 = arith.constant 5 : i32
        %scan3A_579 = arith.addi %scan3A_448, %scan3A_578 : i32
        %mul3A_580 = arith.constant 1 : i32
        %mul3A_581 = arith.muli %scan3A_579, %mul3A_580 : i32
        %add3A_582 = arith.constant 0 : i32
        %add3A_583 = arith.addi %add3A_582, %mul3A_581 : i32
        %mul3A_584 = arith.constant 16 : i32
        %mul3A_585 = arith.muli %add3A_583, %mul3A_584 : i32
        %get3A_586 = arith.index_cast %mul3A_585 : i32 to index
        %get3A_587 = tpu.vector_load %arg8[%get3A_586] {strides = array<i32>} : memref<4096xi32, #tpu.memory_space<vmem>>, vector<16xi32>,
        %sub3A_588 = arith.constant 50048 : i32
        %sub3A_589 = vector.broadcast %sub3A_588 : i32 to vector<16xi32>
        %sub3A_590 = arith.subi %get3A_587, %sub3A_589 : vector<16xi32>
        %max3A_591 = arith.constant 0 : i32
        %max3A_592 = vector.broadcast %max3A_591 : i32 to vector<16xi32>
        %max3A_593 = arith.maxsi %sub3A_590, %max3A_592 : vector<16xi32>
        %gather3A_594 = tpu.vector_load_idx %arg7[%max3A_593] : memref<50048xf32, #tpu.memory_space<vmem>>[vector<16xi32>], vector<16xf32>,
        %ge3A_595 = arith.constant 50048 : i32
        %ge3A_596 = vector.broadcast %ge3A_595 : i32 to vector<16xi32>
        %ge3A_597 = arith.cmpi sge, %get3A_587, %ge3A_596 : vector<16xi32>
        %get3A_598 = arith.index_cast %select_n3A_232 : i32 to index
        %get3A_599 = arith.index_cast %mul3A_585 : i32 to index
        %get3A_600 = tpu.vector_load %arg9[%get3A_598, %get3A_599] {strides = array<i32>} : memref<2x4096xf32, #tpu.memory_space<vmem>>, vector<16xf32>,
        %select_n3A_601 = arith.select %ge3A_597, %gather3A_594, %get3A_600 : vector<16xi1>, vector<16xf32>
        %swap3A_602 = arith.index_cast %select_n3A_232 : i32 to index
        %swap3A_603 = arith.index_cast %mul3A_585 : i32 to index
        %swap3A_604 = tpu.vector_load %arg9[%swap3A_602, %swap3A_603] {strides = array<i32>} : memref<2x4096xf32, #tpu.memory_space<vmem>>, vector<16xf32>,
        tpu.vector_store %arg9[%swap3A_602, %swap3A_603], %select_n3A_601 {strides = array<i32>} : memref<2x4096xf32, #tpu.memory_space<vmem>>, vector<16xf32>,
        %scan3A_605 = arith.constant 6 : i32
        %scan3A_606 = arith.addi %scan3A_448, %scan3A_605 : i32
        %mul3A_607 = arith.constant 1 : i32
        %mul3A_608 = arith.muli %scan3A_606, %mul3A_607 : i32
        %add3A_609 = arith.constant 0 : i32
        %add3A_610 = arith.addi %add3A_609, %mul3A_608 : i32
        %mul3A_611 = arith.constant 16 : i32
        %mul3A_612 = arith.muli %add3A_610, %mul3A_611 : i32
        %get3A_613 = arith.index_cast %mul3A_612 : i32 to index
        %get3A_614 = tpu.vector_load %arg8[%get3A_613] {strides = array<i32>} : memref<4096xi32, #tpu.memory_space<vmem>>, vector<16xi32>,
        %sub3A_615 = arith.constant 50048 : i32
        %sub3A_616 = vector.broadcast %sub3A_615 : i32 to vector<16xi32>
        %sub3A_617 = arith.subi %get3A_614, %sub3A_616 : vector<16xi32>
        %max3A_618 = arith.constant 0 : i32
        %max3A_619 = vector.broadcast %max3A_618 : i32 to vector<16xi32>
        %max3A_620 = arith.maxsi %sub3A_617, %max3A_619 : vector<16xi32>
        %gather3A_621 = tpu.vector_load_idx %arg7[%max3A_620] : memref<50048xf32, #tpu.memory_space<vmem>>[vector<16xi32>], vector<16xf32>,
        %ge3A_622 = arith.constant 50048 : i32
        %ge3A_623 = vector.broadcast %ge3A_622 : i32 to vector<16xi32>
        %ge3A_624 = arith.cmpi sge, %get3A_614, %ge3A_623 : vector<16xi32>
        %get3A_625 = arith.index_cast %select_n3A_232 : i32 to index
        %get3A_626 = arith.index_cast %mul3A_612 : i32 to index
        %get3A_627 = tpu.vector_load %arg9[%get3A_625, %get3A_626] {strides = array<i32>} : memref<2x4096xf32, #tpu.memory_space<vmem>>, vector<16xf32>,
        %select_n3A_628 = arith.select %ge3A_624, %gather3A_621, %get3A_627 : vector<16xi1>, vector<16xf32>
        %swap3A_629 = arith.index_cast %select_n3A_232 : i32 to index
        %swap3A_630 = arith.index_cast %mul3A_612 : i32 to index
        %swap3A_631 = tpu.vector_load %arg9[%swap3A_629, %swap3A_630] {strides = array<i32>} : memref<2x4096xf32, #tpu.memory_space<vmem>>, vector<16xf32>,
        tpu.vector_store %arg9[%swap3A_629, %swap3A_630], %select_n3A_628 {strides = array<i32>} : memref<2x4096xf32, #tpu.memory_space<vmem>>, vector<16xf32>,
        %scan3A_632 = arith.constant 7 : i32
        %scan3A_633 = arith.addi %scan3A_448, %scan3A_632 : i32
        %mul3A_634 = arith.constant 1 : i32
        %mul3A_635 = arith.muli %scan3A_633, %mul3A_634 : i32
        %add3A_636 = arith.constant 0 : i32
        %add3A_637 = arith.addi %add3A_636, %mul3A_635 : i32
        %mul3A_638 = arith.constant 16 : i32
        %mul3A_639 = arith.muli %add3A_637, %mul3A_638 : i32
        %get3A_640 = arith.index_cast %mul3A_639 : i32 to index
        %get3A_641 = tpu.vector_load %arg8[%get3A_640] {strides = array<i32>} : memref<4096xi32, #tpu.memory_space<vmem>>, vector<16xi32>,
        %sub3A_642 = arith.constant 50048 : i32
        %sub3A_643 = vector.broadcast %sub3A_642 : i32 to vector<16xi32>
        %sub3A_644 = arith.subi %get3A_641, %sub3A_643 : vector<16xi32>
        %max3A_645 = arith.constant 0 : i32
        %max3A_646 = vector.broadcast %max3A_645 : i32 to vector<16xi32>
        %max3A_647 = arith.maxsi %sub3A_644, %max3A_646 : vector<16xi32>
        %gather3A_648 = tpu.vector_load_idx %arg7[%max3A_647] : memref<50048xf32, #tpu.memory_space<vmem>>[vector<16xi32>], vector<16xf32>,
        %ge3A_649 = arith.constant 50048 : i32
        %ge3A_650 = vector.broadcast %ge3A_649 : i32 to vector<16xi32>
        %ge3A_651 = arith.cmpi sge, %get3A_641, %ge3A_650 : vector<16xi32>
        %get3A_652 = arith.index_cast %select_n3A_232 : i32 to index
        %get3A_653 = arith.index_cast %mul3A_639 : i32 to index
        %get3A_654 = tpu.vector_load %arg9[%get3A_652, %get3A_653] {strides = array<i32>} : memref<2x4096xf32, #tpu.memory_space<vmem>>, vector<16xf32>,
        %select_n3A_655 = arith.select %ge3A_651, %gather3A_648, %get3A_654 : vector<16xi1>, vector<16xf32>
        %swap3A_656 = arith.index_cast %select_n3A_232 : i32 to index
        %swap3A_657 = arith.index_cast %mul3A_639 : i32 to index
        %swap3A_658 = tpu.vector_load %arg9[%swap3A_656, %swap3A_657] {strides = array<i32>} : memref<2x4096xf32, #tpu.memory_space<vmem>>, vector<16xf32>,
        tpu.vector_store %arg9[%swap3A_656, %swap3A_657], %select_n3A_655 {strides = array<i32>} : memref<2x4096xf32, #tpu.memory_space<vmem>>, vector<16xf32>,
      }
      %scan3A_428 = arith.constant 256 : i32
      %add3A_429 = arith.constant 1 : i32
      %add3A_430 = arith.addi %add3A_199, %add3A_429 : i32
      %lt3A_431 = arith.constant 26 : i32
      %lt3A_432 = arith.cmpi slt, %add3A_430, %lt3A_431 : i32
      %convert_element_type3A_433 = arith.extui %lt3A_432 : i1 to i32
      %cond3A_434 = arith.constant 0 : i32
      %cond3A_435 = arith.cmpi ne, %convert_element_type3A_433, %cond3A_434 : i32
      scf.if %cond3A_435 {
        %add3A_448 = arith.constant 1 : i32
        %add3A_449 = arith.addi %add3A_200, %add3A_448 : i32
        %jit3A_450 = arith.constant 32 : i32
        %div3A_451 = arith.divsi %add3A_449, %jit3A_450 : i32
        %sign3A_452 = arith.constant 0 : i32
        %sign3A_453 = arith.cmpi sgt, %add3A_449, %sign3A_452 : i32
        %sign3A_454 = arith.extui %sign3A_453 : i1 to i32
        %sign3A_455 = arith.constant 0 : i32
        %sign3A_456 = arith.cmpi slt, %add3A_449, %sign3A_455 : i32
        %sign3A_457 = arith.extui %sign3A_456 : i1 to i32
        %sign3A_458 = arith.subi %sign3A_454, %sign3A_457 : i32
        %sign3A_459 = arith.constant 0 : i32
        %sign3A_460 = arith.cmpi sgt, %jit3A_450, %sign3A_459 : i32
        %sign3A_461 = arith.extui %sign3A_460 : i1 to i32
        %sign3A_462 = arith.constant 0 : i32
        %sign3A_463 = arith.cmpi slt, %jit3A_450, %sign3A_462 : i32
        %sign3A_464 = arith.extui %sign3A_463 : i1 to i32
        %sign3A_465 = arith.subi %sign3A_461, %sign3A_464 : i32
        %ne3A_466 = arith.cmpi ne, %sign3A_458, %sign3A_465 : i32
        %rem3A_467 = arith.remsi %add3A_449, %jit3A_450 : i32
        %ne3A_468 = arith.constant 0 : i32
        %ne3A_469 = arith.cmpi ne, %rem3A_467, %ne3A_468 : i32
        %and3A_470 = arith.andi %ne3A_466, %ne3A_469 : i1
        %sub3A_471 = arith.constant 1 : i32
        %sub3A_472 = arith.subi %div3A_451, %sub3A_471 : i32
        %select_n3A_473 = arith.select %and3A_470, %sub3A_472, %div3A_451 : i32
        %jit3A_474 = arith.constant 32 : i32
        %eq3A_475 = arith.constant 0 : i32
        %eq3A_476 = arith.cmpi eq, %jit3A_474, %eq3A_475 : i32
        %jit3A_477 = arith.constant 1 : i32
        %select_n3A_478 = arith.select %eq3A_476, %jit3A_477, %jit3A_474 : i32
        %rem3A_479 = arith.remsi %add3A_449, %select_n3A_478 : i32
        %ne3A_480 = arith.constant 0 : i32
        %ne3A_481 = arith.cmpi ne, %rem3A_479, %ne3A_480 : i32
        %lt3A_482 = arith.constant 0 : i32
        %lt3A_483 = arith.cmpi slt, %rem3A_479, %lt3A_482 : i32
        %lt3A_484 = arith.constant 0 : i32
        %lt3A_485 = arith.cmpi slt, %select_n3A_478, %lt3A_484 : i32
        %ne3A_486 = arith.xori %lt3A_483, %lt3A_485 : i1
        %and3A_487 = arith.andi %ne3A_486, %ne3A_481 : i1
        %add3A_488 = arith.addi %rem3A_479, %select_n3A_478 : i32
        %select_n3A_489 = arith.select %and3A_487, %add3A_488, %rem3A_479 : i32
        %dma_start3A_490 = arith.constant 0 : i32
        %dma_start3A_491 = tpu.memref_slice %arg7[%dma_start3A_490] : memref<50048xf32, #tpu.memory_space<vmem>> -> memref<12544xf32, #tpu.memory_space<vmem>>
        %dma_start3A_492 = arith.constant 50048 : i32
        %dma_start3A_493 = tpu.memref_slice %arg3[%select_n3A_473, %select_n3A_489, %dma_start3A_492] : memref<26x32x100000xf32, #tpu.memory_space<hbm>> -> memref<1x1x12544xf32, #tpu.memory_space<hbm>>
        %dma_start3A_494 = tpu.memref_squeeze %dma_start3A_493 : memref<1x1x12544xf32, #tpu.memory_space<hbm>> -> memref<12544xf32, #tpu.memory_space<hbm>>
        %dma_start3A_495 = arith.constant 0 : i32
        %dma_start3A_496 = tpu.memref_slice %arg7[%dma_start3A_495] : memref<50048xf32, #tpu.memory_space<vmem>> -> memref<12544xf32, #tpu.memory_space<vmem>>
        %dma_start3A_497 = arith.constant 50048 : i32
        %dma_start3A_498 = tpu.memref_slice %arg3[%select_n3A_473, %select_n3A_489, %dma_start3A_497] : memref<26x32x100000xf32, #tpu.memory_space<hbm>> -> memref<1x1x12544xf32, #tpu.memory_space<hbm>>
        %dma_start3A_499 = tpu.memref_squeeze %dma_start3A_498 : memref<1x1x12544xf32, #tpu.memory_space<hbm>> -> memref<12544xf32, #tpu.memory_space<hbm>>
        tpu.enqueue_dma source(%dma_start3A_499 : memref<12544xf32, #tpu.memory_space<hbm>>) target(%dma_start3A_496 : memref<12544xf32, #tpu.memory_space<vmem>>) target_semaphore(%arg11 : memref<!tpu.dma_semaphore, #tpu.memory_space<semaphore_mem>>)
        %dma_start3A_500 = arith.constant 12544 : i32
        %dma_start3A_501 = tpu.memref_slice %arg7[%dma_start3A_500] : memref<50048xf32, #tpu.memory_space<vmem>> -> memref<12544xf32, #tpu.memory_space<vmem>>
        %dma_start3A_502 = arith.constant 62592 : i32
        %dma_start3A_503 = tpu.memref_slice %arg3[%select_n3A_473, %select_n3A_489, %dma_start3A_502] : memref<26x32x100000xf32, #tpu.memory_space<hbm>> -> memref<1x1x12544xf32, #tpu.memory_space<hbm>>
        %dma_start3A_504 = tpu.memref_squeeze %dma_start3A_503 : memref<1x1x12544xf32, #tpu.memory_space<hbm>> -> memref<12544xf32, #tpu.memory_space<hbm>>
        %dma_start3A_505 = arith.constant 12544 : i32
        %dma_start3A_506 = tpu.memref_slice %arg7[%dma_start3A_505] : memref<50048xf32, #tpu.memory_space<vmem>> -> memref<12544xf32, #tpu.memory_space<vmem>>
        %dma_start3A_507 = arith.constant 62592 : i32
        %dma_start3A_508 = tpu.memref_slice %arg3[%select_n3A_473, %select_n3A_489, %dma_start3A_507] : memref<26x32x100000xf32, #tpu.memory_space<hbm>> -> memref<1x1x12544xf32, #tpu.memory_space<hbm>>
        %dma_start3A_509 = tpu.memref_squeeze %dma_start3A_508 : memref<1x1x12544xf32, #tpu.memory_space<hbm>> -> memref<12544xf32, #tpu.memory_space<hbm>>
        tpu.enqueue_dma source(%dma_start3A_509 : memref<12544xf32, #tpu.memory_space<hbm>>) target(%dma_start3A_506 : memref<12544xf32, #tpu.memory_space<vmem>>) target_semaphore(%arg11 : memref<!tpu.dma_semaphore, #tpu.memory_space<semaphore_mem>>)
        %dma_start3A_510 = arith.constant 25088 : i32
        %dma_start3A_511 = tpu.memref_slice %arg7[%dma_start3A_510] : memref<50048xf32, #tpu.memory_space<vmem>> -> memref<12544xf32, #tpu.memory_space<vmem>>
        %dma_start3A_512 = arith.constant 75136 : i32
        %dma_start3A_513 = tpu.memref_slice %arg3[%select_n3A_473, %select_n3A_489, %dma_start3A_512] : memref<26x32x100000xf32, #tpu.memory_space<hbm>> -> memref<1x1x12544xf32, #tpu.memory_space<hbm>>
        %dma_start3A_514 = tpu.memref_squeeze %dma_start3A_513 : memref<1x1x12544xf32, #tpu.memory_space<hbm>> -> memref<12544xf32, #tpu.memory_space<hbm>>
        %dma_start3A_515 = arith.constant 25088 : i32
        %dma_start3A_516 = tpu.memref_slice %arg7[%dma_start3A_515] : memref<50048xf32, #tpu.memory_space<vmem>> -> memref<12544xf32, #tpu.memory_space<vmem>>
        %dma_start3A_517 = arith.constant 75136 : i32
        %dma_start3A_518 = tpu.memref_slice %arg3[%select_n3A_473, %select_n3A_489, %dma_start3A_517] : memref<26x32x100000xf32, #tpu.memory_space<hbm>> -> memref<1x1x12544xf32, #tpu.memory_space<hbm>>
        %dma_start3A_519 = tpu.memref_squeeze %dma_start3A_518 : memref<1x1x12544xf32, #tpu.memory_space<hbm>> -> memref<12544xf32, #tpu.memory_space<hbm>>
        tpu.enqueue_dma source(%dma_start3A_519 : memref<12544xf32, #tpu.memory_space<hbm>>) target(%dma_start3A_516 : memref<12544xf32, #tpu.memory_space<vmem>>) target_semaphore(%arg11 : memref<!tpu.dma_semaphore, #tpu.memory_space<semaphore_mem>>)
        %dma_start3A_520 = arith.constant 37632 : i32
        %dma_start3A_521 = tpu.memref_slice %arg7[%dma_start3A_520] : memref<50048xf32, #tpu.memory_space<vmem>> -> memref<12288xf32, #tpu.memory_space<vmem>>
        %dma_start3A_522 = arith.constant 87680 : i32
        %dma_start3A_523 = tpu.memref_slice %arg3[%select_n3A_473, %select_n3A_489, %dma_start3A_522] : memref<26x32x100000xf32, #tpu.memory_space<hbm>> -> memref<1x1x12288xf32, #tpu.memory_space<hbm>>
        %dma_start3A_524 = tpu.memref_squeeze %dma_start3A_523 : memref<1x1x12288xf32, #tpu.memory_space<hbm>> -> memref<12288xf32, #tpu.memory_space<hbm>>
        %dma_start3A_525 = arith.constant 37632 : i32
        %dma_start3A_526 = tpu.memref_slice %arg7[%dma_start3A_525] : memref<50048xf32, #tpu.memory_space<vmem>> -> memref<12288xf32, #tpu.memory_space<vmem>>
        %dma_start3A_527 = arith.constant 87680 : i32
        %dma_start3A_528 = tpu.memref_slice %arg3[%select_n3A_473, %select_n3A_489, %dma_start3A_527] : memref<26x32x100000xf32, #tpu.memory_space<hbm>> -> memref<1x1x12288xf32, #tpu.memory_space<hbm>>
        %dma_start3A_529 = tpu.memref_squeeze %dma_start3A_528 : memref<1x1x12288xf32, #tpu.memory_space<hbm>> -> memref<12288xf32, #tpu.memory_space<hbm>>
        tpu.enqueue_dma source(%dma_start3A_529 : memref<12288xf32, #tpu.memory_space<hbm>>) target(%dma_start3A_526 : memref<12288xf32, #tpu.memory_space<vmem>>) target_semaphore(%arg11 : memref<!tpu.dma_semaphore, #tpu.memory_space<semaphore_mem>>)
        %dma_start3A_530 = arith.constant 49920 : i32
        %dma_start3A_531 = tpu.memref_slice %arg7[%dma_start3A_530] : memref<50048xf32, #tpu.memory_space<vmem>> -> memref<128xf32, #tpu.memory_space<vmem>>
        %dma_start3A_532 = arith.constant 0 : i32
        %dma_start3A_533 = tpu.memref_slice %arg4[%select_n3A_473, %select_n3A_489, %dma_start3A_532] : memref<26x32x128xf32, #tpu.memory_space<hbm>> -> memref<1x1x128xf32, #tpu.memory_space<hbm>>
        %dma_start3A_534 = tpu.memref_squeeze %dma_start3A_533 : memref<1x1x128xf32, #tpu.memory_space<hbm>> -> memref<128xf32, #tpu.memory_space<hbm>>
        %dma_start3A_535 = arith.constant 49920 : i32
        %dma_start3A_536 = tpu.memref_slice %arg7[%dma_start3A_535] : memref<50048xf32, #tpu.memory_space<vmem>> -> memref<128xf32, #tpu.memory_space<vmem>>
        %dma_start3A_537 = arith.constant 0 : i32
        %dma_start3A_538 = tpu.memref_slice %arg4[%select_n3A_473, %select_n3A_489, %dma_start3A_537] : memref<26x32x128xf32, #tpu.memory_space<hbm>> -> memref<1x1x128xf32, #tpu.memory_space<hbm>>
        %dma_start3A_539 = tpu.memref_squeeze %dma_start3A_538 : memref<1x1x128xf32, #tpu.memory_space<hbm>> -> memref<128xf32, #tpu.memory_space<hbm>>
        tpu.enqueue_dma source(%dma_start3A_539 : memref<128xf32, #tpu.memory_space<hbm>>) target(%dma_start3A_536 : memref<128xf32, #tpu.memory_space<vmem>>) target_semaphore(%arg11 : memref<!tpu.dma_semaphore, #tpu.memory_space<semaphore_mem>>)
      } else {
      }
      %dma_start3A_436 = arith.constant 0 : i32
      %dma_start3A_437 = tpu.memref_slice %arg9[%select_n3A_232, %dma_start3A_436] : memref<2x4096xf32, #tpu.memory_space<vmem>> -> memref<1x4096xf32, #tpu.memory_space<vmem>>
      %dma_start3A_438 = tpu.memref_squeeze %dma_start3A_437 : memref<1x4096xf32, #tpu.memory_space<vmem>> -> memref<4096xf32, #tpu.memory_space<vmem>>
      %dma_start3A_439 = arith.constant 0 : i32
      %dma_start3A_440 = tpu.memref_slice %arg5[%add3A_200, %dma_start3A_439] : memref<832x4096xf32, #tpu.memory_space<hbm>> -> memref<1x4096xf32, #tpu.memory_space<hbm>>
      %dma_start3A_441 = tpu.memref_squeeze %dma_start3A_440 : memref<1x4096xf32, #tpu.memory_space<hbm>> -> memref<4096xf32, #tpu.memory_space<hbm>>
      %dma_start3A_442 = arith.constant 0 : i32
      %dma_start3A_443 = tpu.memref_slice %arg5[%add3A_200, %dma_start3A_442] : memref<832x4096xf32, #tpu.memory_space<hbm>> -> memref<1x4096xf32, #tpu.memory_space<hbm>>
      %dma_start3A_444 = tpu.memref_squeeze %dma_start3A_443 : memref<1x4096xf32, #tpu.memory_space<hbm>> -> memref<4096xf32, #tpu.memory_space<hbm>>
      %dma_start3A_445 = arith.constant 0 : i32
      %dma_start3A_446 = tpu.memref_slice %arg9[%select_n3A_232, %dma_start3A_445] : memref<2x4096xf32, #tpu.memory_space<vmem>> -> memref<1x4096xf32, #tpu.memory_space<vmem>>
      %dma_start3A_447 = tpu.memref_squeeze %dma_start3A_446 : memref<1x4096xf32, #tpu.memory_space<vmem>> -> memref<4096xf32, #tpu.memory_space<vmem>>
      tpu.enqueue_dma source(%dma_start3A_447 : memref<4096xf32, #tpu.memory_space<vmem>>) target(%dma_start3A_444 : memref<4096xf32, #tpu.memory_space<hbm>>) target_semaphore(%arg12 : memref<!tpu.dma_semaphore, #tpu.memory_space<semaphore_mem>>)
    }
    %scan3A_165 = arith.constant 26 : i32
    %add3A_166 = arith.constant 0 : i32
    %add3A_167 = arith.addi %mul3A_2, %add3A_166 : i32
    %dma_wait3A = arith.constant 0 : i32
    %dma_wait3A_168 = arith.constant 0 : i32
    %dma_wait3A_169 = tpu.memref_slice %arg9[%dma_wait3A, %dma_wait3A_168] : memref<2x4096xf32, #tpu.memory_space<vmem>> -> memref<1x4096xf32, #tpu.memory_space<vmem>>
    %dma_wait3A_170 = tpu.memref_squeeze %dma_wait3A_169 : memref<1x4096xf32, #tpu.memory_space<vmem>> -> memref<4096xf32, #tpu.memory_space<vmem>>
    %dma_wait3A_171 = arith.constant 0 : i32
    %dma_wait3A_172 = tpu.memref_slice %arg5[%add3A_167, %dma_wait3A_171] : memref<832x4096xf32, #tpu.memory_space<hbm>> -> memref<1x4096xf32, #tpu.memory_space<hbm>>
    %dma_wait3A_173 = tpu.memref_squeeze %dma_wait3A_172 : memref<1x4096xf32, #tpu.memory_space<hbm>> -> memref<4096xf32, #tpu.memory_space<hbm>>
    %dma_wait3A_174 = arith.constant 0 : i32
    %dma_wait3A_175 = tpu.memref_slice %arg5[%add3A_167, %dma_wait3A_174] : memref<832x4096xf32, #tpu.memory_space<hbm>> -> memref<1x4096xf32, #tpu.memory_space<hbm>>
    %dma_wait3A_176 = tpu.memref_squeeze %dma_wait3A_175 : memref<1x4096xf32, #tpu.memory_space<hbm>> -> memref<4096xf32, #tpu.memory_space<hbm>>
    %dma_wait3A_177 = arith.constant 0 : i32
    %dma_wait3A_178 = tpu.memref_slice %arg9[%dma_wait3A, %dma_wait3A_177] : memref<2x4096xf32, #tpu.memory_space<vmem>> -> memref<1x4096xf32, #tpu.memory_space<vmem>>
    %dma_wait3A_179 = tpu.memref_squeeze %dma_wait3A_178 : memref<1x4096xf32, #tpu.memory_space<vmem>> -> memref<4096xf32, #tpu.memory_space<vmem>>
    tpu.wait_dma2 semaphore(%arg12 : memref<!tpu.dma_semaphore, #tpu.memory_space<semaphore_mem>>) src(%dma_wait3A_179 : memref<4096xf32, #tpu.memory_space<vmem>>) dst(%dma_wait3A_176 : memref<4096xf32, #tpu.memory_space<hbm>>)
    %add3A_180 = arith.constant 1 : i32
    %add3A_181 = arith.addi %mul3A_2, %add3A_180 : i32
    %dma_wait3A_182 = arith.constant 1 : i32
    %dma_wait3A_183 = arith.constant 0 : i32
    %dma_wait3A_184 = tpu.memref_slice %arg9[%dma_wait3A_182, %dma_wait3A_183] : memref<2x4096xf32, #tpu.memory_space<vmem>> -> memref<1x4096xf32, #tpu.memory_space<vmem>>
    %dma_wait3A_185 = tpu.memref_squeeze %dma_wait3A_184 : memref<1x4096xf32, #tpu.memory_space<vmem>> -> memref<4096xf32, #tpu.memory_space<vmem>>
    %dma_wait3A_186 = arith.constant 0 : i32
    %dma_wait3A_187 = tpu.memref_slice %arg5[%add3A_181, %dma_wait3A_186] : memref<832x4096xf32, #tpu.memory_space<hbm>> -> memref<1x4096xf32, #tpu.memory_space<hbm>>
    %dma_wait3A_188 = tpu.memref_squeeze %dma_wait3A_187 : memref<1x4096xf32, #tpu.memory_space<hbm>> -> memref<4096xf32, #tpu.memory_space<hbm>>
    %dma_wait3A_189 = arith.constant 0 : i32
    %dma_wait3A_190 = tpu.memref_slice %arg5[%add3A_181, %dma_wait3A_189] : memref<832x4096xf32, #tpu.memory_space<hbm>> -> memref<1x4096xf32, #tpu.memory_space<hbm>>
    %dma_wait3A_191 = tpu.memref_squeeze %dma_wait3A_190 : memref<1x4096xf32, #tpu.memory_space<hbm>> -> memref<4096xf32, #tpu.memory_space<hbm>>
    %dma_wait3A_192 = arith.constant 0 : i32
    %dma_wait3A_193 = tpu.memref_slice %arg9[%dma_wait3A_182, %dma_wait3A_192] : memref<2x4096xf32, #tpu.memory_space<vmem>> -> memref<1x4096xf32, #tpu.memory_space<vmem>>
    %dma_wait3A_194 = tpu.memref_squeeze %dma_wait3A_193 : memref<1x4096xf32, #tpu.memory_space<vmem>> -> memref<4096xf32, #tpu.memory_space<vmem>>
    tpu.wait_dma2 semaphore(%arg12 : memref<!tpu.dma_semaphore, #tpu.memory_space<semaphore_mem>>) src(%dma_wait3A_194 : memref<4096xf32, #tpu.memory_space<vmem>>) dst(%dma_wait3A_191 : memref<4096xf32, #tpu.memory_space<hbm>>)
    return
  }
}

</mosaic_0001>

<sc_bundles>
// kernel: kernel.3.cloned.1.call-start
scs
__scs_entry_jumppad:
0x0: {  	(pc) =	sbr.rel $0x88, $3  }
0x1: {  	(tag) =	ssettag $0x0;
	lr =	simm.s32 $0x1  }
0x2: {  	[smem:$0x3F9F] =	sst lr;
	_ =	strace $0xD0000000  }
0x3: {  	_ = 	snop  }
0x4: {  	_ = 	snop  }
0x5: {  	_ = 	snop  }
0x6: {  	_ = 	snop  }
0x7: {  	_ = 	snop  }
__scs_overlays_trampoline_lowered:
0x8: {  	[smem:$0x3FAE] =	sst s0  }
0x9: {  	[smem:$0x3FAF] =	sst s1  }
0xa: {  	[smem:$0x3FB0] =	sst s2  }
0xb: {  	[smem:$0x3FB1] =	sst s3  }
0xc: {  	[smem:$0x3FB2] =	sst s4  }
0xd: {  	[smem:$0x3FB3] =	sst s5  }
0xe: {  	[smem:$0x3FB4] =	sst s6  }
0xf: {  	[smem:$0x3FB5] =	sst s7  }
0x10: {  	[smem:$0x3FB6] =	sst s8  }
0x11: {  	[smem:$0x3FB7] =	sst s9;
	s0 =	simm.s32 @!p0 $0x0  }
0x12: {  	s1 =	sld [smem:$0x3F9D];
	s0 =	simm.s32 @p0 $0x1  }
0x13: {  	[smem:$0x3FB8] =	sst s0;
	s0 =	simm.s32 @!p1 $0x0  }
0x14: {  	s2 =	sld [smem:$0x3F9C];
	s0 =	simm.s32 @p1 $0x1  }
0x15: {  	[smem:$0x3FB9] =	sst s0;
	s0 =	simm.s32 @!p2 $0x0  }
0x16: {  	s3 =	sld [smem:$0x3FDB];
	s0 =	simm.s32 @p2 $0x1  }
0x17: {  	s4 =	simm.s32 $0x1BF5;
	[smem:$0x3FBB] =	sst s0  }
0x18: {  	s0 =	sld [smem:$0x3F9E];
	_ =	swait.ge [sflag:s4], $0x0  }
0x19: {  	s7 =	sld [smem:$0x3F9F]  }
0x1a: {  	s8 =	sadd.s32 $0xFFFFE003, lr  }
0x1b: {  	s9 =	sadd.s32 $0xFFFFFEF7, lr;
	s5 =	simm.s32 $0xFFFFFFFF;
	p2 =	slt.u32 s8, $0xFFFFF086  }
0x1c: {  	p1 =	slt.u32 s9, $0xF7A;
	s5 =	simm.s32 @!p2 $0x0  }
0x1d: {  	s5 =	simm.s32 @p1 $0x1;
	p0 =	seq.s32 s7, s2  }
0x1e: {  	s7 =	smul.u32 @!p0 $0xF7A, s2;
	p2 =	seq.s32 @!p0 s5, $0x0  }
0x1f: {  	s9 =	smul.u32 $0xF7A, s1;
	s8 =	simm.s32 @!p0 $0x1BF5;
	p2 =	por !p2, p0  }
0x20: {  	[sflag:s8] =	ssyncset.s32 @!p0 $0xFFFFF086;
	s6 =	sadd.s32 @!p0 s3, s7;
	s7 =	simm.s32 @!p0 $0x108  }
0x21: {  	s3 =	sadd.s32 s3, s9;
	s6 =	sadd.s32 @!p0 $0x88, s6;
	s7 =	simm.s32 @p2 $0x1082  }
0x22: {  	[simem:s7], [sflag:s8] =	dma.local @!p0 [hbm:s6], $0xF7A  }
0x23: {  	s9 =	sor.u32 $0xD0000000, s2;
	s6 =	simm.s32 $0x108;
	_ =	swait.ge @!p0 [sflag:s8], $0x0  }
0x24: {  	s3 =	sadd.s32 $0x88, s3;
	s6 =	simm.s32 @!p1 $0x1082;
	[sflag:s4] =	ssyncset.s32 $0xFFFFF086  }
0x25: {  	[simem:s6], [sflag:s4] =	dma.local [hbm:s3], $0xF7A  }
0x26: {  	[smem:$0x3F9F] =	sst s1;
	(tag) =	ssettag s2;
	_ =	strace s9  }
0x27: {  	s1 =	sld [smem:$0x3FAF]  }
0x28: {  	s2 =	sld [smem:$0x3FB0]  }
0x29: {  	s4 =	sld [smem:$0x3FB2]  }
0x2a: {  	p0 =	seq.s32 s5, $0x0;
	s5 =	sld [smem:$0x3FB3]  }
0x2b: {  	s6 =	sld [smem:$0x3FB4]  }
0x2c: {  	s7 =	sld [smem:$0x3FB5]  }
0x2d: {  	s3 =	simm.s32 $0x108;
	s8 =	sld [smem:$0x3FB6]  }
0x2e: {  	s3 =	simm.s32 @!p0 $0x1082;
	s9 =	sld [smem:$0x3FB7]  }
0x2f: {  	lr =	sadd.s32 s0, s3;
	s0 =	sld [smem:$0x3FAE]  }
0x30: {  	s3 =	sld [smem:$0x3FB1]  }
0x31: {  	[smem:$0x3FBA] =	sst s10  }
0x32: {  	s10 =	sld [smem:$0x3FB8];
	_ =	sdelay $0x3  }
0x33: {  	p0 =	seq.s32 s10, $0x1;
	s10 =	sld [smem:$0x3FBA];
	_ =	sdelay $0x3  }
0x34: {  	[smem:$0x3FBA] =	sst s10  }
0x35: {  	s10 =	sld [smem:$0x3FB9];
	_ =	sdelay $0x3  }
0x36: {  	p1 =	seq.s32 s10, $0x1;
	s10 =	sld [smem:$0x3FBA];
	_ =	sdelay $0x3  }
0x37: {  	[smem:$0x3FBA] =	sst s10  }
0x38: {  	s10 =	sld [smem:$0x3FBB]  }
0x39: {  	_ = 	snop;
	(pc) =	sbr.ind lr, $3  }
0x3a: {  	_ = 	snop  }
0x3b: {  	_ = 	snop  }
0x3c: {  	p2 =	seq.s32 s10, $0x1;
	s10 =	sld [smem:$0x3FBA]  }
0x3d: {  	_ =	shalt  }
0x3e: {  	_ =	shalt  }
0x3f: {  	_ =	shalt  }
0x40: {  	_ =	shalt  }
0x41: {  	_ =	shalt  }
0x42: {  	_ =	shalt  }
0x43: {  	_ =	shalt  }
0x44: {  	_ =	shalt  }
0x45: {  	_ =	shalt  }
0x46: {  	_ =	shalt  }
0x47: {  	_ =	shalt  }
0x48: {  	_ =	shalt  }
0x49: {  	_ =	shalt  }
0x4a: {  	_ =	shalt  }
0x4b: {  	_ =	shalt  }
0x4c: {  	_ =	shalt  }
0x4d: {  	_ =	shalt  }
0x4e: {  	_ =	shalt  }
0x4f: {  	_ =	shalt  }
0x50: {  	_ =	shalt  }
0x51: {  	_ =	shalt  }
0x52: {  	_ =	shalt  }
0x53: {  	_ =	shalt  }
0x54: {  	_ =	shalt  }
0x55: {  	_ =	shalt  }
0x56: {  	_ =	shalt  }
0x57: {  	_ =	shalt  }
0x58: {  	_ =	shalt  }
0x59: {  	_ =	shalt  }
0x5a: {  	_ =	shalt  }
0x5b: {  	_ =	shalt  }
0x5c: {  	_ =	shalt  }
0x5d: {  	_ =	shalt  }
0x5e: {  	_ =	shalt  }
0x5f: {  	_ =	shalt  }
0x60: {  	_ =	shalt  }
0x61: {  	_ =	shalt  }
0x62: {  	_ =	shalt  }
0x63: {  	_ =	shalt  }
0x64: {  	_ =	shalt  }
0x65: {  	_ =	shalt  }
0x66: {  	_ =	shalt  }
0x67: {  	_ =	shalt  }
0x68: {  	_ =	shalt  }
0x69: {  	_ =	shalt  }
0x6a: {  	_ =	shalt  }
0x6b: {  	_ =	shalt  }
0x6c: {  	_ =	shalt  }
0x6d: {  	_ =	shalt  }
0x6e: {  	_ =	shalt  }
0x6f: {  	_ =	shalt  }
0x70: {  	_ =	shalt  }
0x71: {  	_ =	shalt  }
0x72: {  	_ =	shalt  }
0x73: {  	_ =	shalt  }
0x74: {  	_ =	shalt  }
0x75: {  	_ =	shalt  }
0x76: {  	_ =	shalt  }
0x77: {  	_ =	shalt  }
0x78: {  	_ =	shalt  }
0x79: {  	_ =	shalt  }
0x7a: {  	_ =	shalt  }
0x7b: {  	_ =	shalt  }
0x7c: {  	_ =	shalt  }
0x7d: {  	_ =	shalt  }
0x7e: {  	_ =	shalt  }
0x7f: {  	_ =	shalt  }
0x80: {  	_ =	shalt  }
0x81: {  	_ =	shalt  }
0x82: {  	_ =	shalt  }
0x83: {  	_ =	shalt  }
0x84: {  	_ =	shalt  }
0x85: {  	_ =	shalt  }
0x86: {  	_ =	shalt  }
0x87: {  	_ =	shalt  }
.Lfunc_end0:
.L_simem_size_0:
called_computation_lowered:
.L_overlay_start_0:
0x88: {  	s2 =	sld [smem:$0x3FD9]  }
0x89: {  	s3 =	sld [smem:$0x3FFE];
	_ =	sdelay $0x1  }
0x8a: {  	s1 =	srdreg.scid  }
0x8b: {  	s0 =	sand.u32 $0x1, s1  }
0x8c: {  	s17 =	sshll.u32 s0, $0xA;
	s2 =	sadd.s32 s3, s2  }
0x8d: {  	s2 =	sadd.s32 s2, s17  }
0x8e: {  	[smem:$0x3FC6] =	sst s2  }
0x8f: {  	_ = 	snop  }
0x90: {  	s2 =	sld [smem:$0x3FC9]  }
0x91: {  	s18 =	sld [smem:$0x3FC8]  }
0x92: {  	s4 =	sld [smem:$0x3FD0];
	(tm) =	ssettm $0x1  }
0x93: {  	s5 =	sld [smem:$0x3FFB];
	_ =	sdelay $0x3  }
0x94: {  	_ =	strace s5  }
0x95: {  	s5 =	sld [smem:$0x3FFC];
	_ =	sdelay $0x3  }
0x96: {  	_ =	strace s5  }
0x97: {  	s5 =	sld [smem:$0x3FFD];
	_ =	sdelay $0x3  }
0x98: {  	_ =	strace s5  }
0x99: {  	_ =	strace $0x8FFFFFFF  }
0x9a: {  	s19 =	sld [smem:$0x3FDB];
	_ =	sdelay $0x1  }
0x9b: {  	s6 =	simm.s32 $_scs_section_size  }
0x9c: {  	s7 =	simm.s32 $_size__tile_overlayer_lowered;
	s8 =	simm.s32 $_tile_overlayer_lowered  }
0x9d: {  	s22 =	simm.s32 $0x1BFF;
	s21 =	sshll.u32 s8, $0x1;
	s5 =	sadd.s32 s6, s19  }
0x9e: {  	s9 =	simm.s32 $0x0;
	s20 =	sshll.u32 s7, $0x1;
	s7 =	sadd.s32 s21, s5  }
0x9f: {  	[timem:s9], [sflag:s22] =	dma.local [hbm:s7], s20  }
0xa0: {  	_ =	swait.ge [sflag:s22], s20  }
0xa1: {  	s6 =	ssub.s32 $0x0, s20;
	[sflag:s22] =	ssyncset.done $0x0  }
0xa2: {  	[sflag:s22] =	ssyncadd.s32 s6;
	_ =	sdelay $0x1  }
0xa3: {  	s23 =	simm.s32 $0x1B8B  }
0xa4: {  	_ =	swait.ge [sflag:s23], $0x1  }
0xa5: {  	[sflag:s23] =	ssyncset.done $0x0  }
0xa6: {  	s25 =	simm.s32 $0x1B8E;
	s24 =	sld [smem:$0x3FFE];
	[sflag:s23] =	ssyncadd.s32 $0xFFFFFFFF  }
0xa7: {  	s26 =	simm.s32 $execute0_lowered;
	[smem:$0x3FD2] =	sst s25  }
0xa8: {  	s7 =	sshll.u32 s26, $0x1;
	_ =	strace $0x80000046;
	[dreg:$0x1] =	wrdreg $0xFFFFFFFF  }
0xa9: {  	s28 =	simm.s32 $_size_execute0_lowered;
	s5 =	sadd.s32 s5, s7;
	[dreg:$0x0] =	wrdreg $0x0  }
0xaa: {  	s7 =	sshll.u32 s28, $0x1;
	[dreg:$0x2] =	wrdreg s5  }
0xab: {  	[dreg:$0x3] =	wrdreg s7  }
0xac: {  	[dreg:$0x4] =	wrdreg $0xC0  }
0xad: {  	_ =	task [dreg:s9], $0x5FFFF  }
0xae: {  	[dreg:$0x1] =	wrdreg $0xFFFFFFFF  }
0xaf: {  	[dreg:$0x0] =	wrdreg $0x60  }
0xb0: {  	[dreg:$0x2] =	wrdreg s2  }
0xb1: {  	[dreg:$0x3] =	wrdreg s18  }
0xb2: {  	[dreg:$0x4] =	wrdreg s24  }
0xb3: {  	[dreg:$0x5] =	wrdreg s4  }
0xb4: {  	[dreg:$0x6] =	wrdreg $0x9  }
0xb5: {  	_ =	task.clear_ibuf [dreg:s9], $0x7FFFF;
	_ =	strace $0x90000046  }
0xb6: {  	s29 =	simm.s32 $0x9;
	_ =	strace $0x80000048  }
0xb7: {  	_ =	swait.ge [sflag:s29], $0x1  }
0xb8: {  	[sflag:s29] =	ssyncadd.s32 $0xFFFFFFFF  }
0xb9: {  	_ =	strace $0x90000048  }
0xba: {  	_ =	sfence  }
0xbb: {  	s30 =	sld [smem:$0x0];
	_ =	sdelay $0x2  }
0xbc: {  	s31 =	sshll.u32 s1, $0xD;
	s1 =	sshrl.u32 s1, $0x2  }
0xbd: {  	s3 =	sand.u32 $0x4000, s31;
	s1 =	sadd.s32 s1, s30  }
0xbe: {  	s0 =	sor.u32 s3, s0;
	s1 =	sshll.u32 s1, $0x11  }
0xbf: {  	s0 =	sor.u32 s1, s0  }
0xc0: {  	s0 =	sadd.s32 $0x8F2B, s0  }
0xc1: {  	[sflag:s0] =	ssyncadd.remote.s32 $0x1  }
0xc2: {  	_ =	sfence.sel $0xFFFF  }
0xc3: {  	[dreg:$0x0] =	wrdreg $0xFFFFFFFF;
	(pc) =	sbr.abs _section_cstart, $3  }
0xc4: {  	[dreg:$0x1] =	wrdreg $0xFFFFFFFF  }
0xc5: {  	_ =	task.clear_ibuf [dreg:s9], $0x2FFFF;
	_ =	strace $0x9FFFFFFF  }
0xc6: {  	(tm) =	ssettm $0x7FFFFFFF  }
0xc7: {  	_ =	shalt  }
tec
execute0_lowered:
.L_overlay_start_1:
0x0: {  	(tag) =	ssettag $0x1  }
0x1: {  	s0 =	srdreg.scid;
	s1 =	stileid.u32  }
0x2: {  	s3 =	rddreg [dreg:$0x1];
	s0 =	sand.u32 $0x1, s0;
	s1 =	sshll.u32 s1, $0x1  }
0x3: {  	s4 =	rddreg [dreg:$0x2];
	s2 =	sor.u32 s0, s1  }
0x4: {  	s5 =	rddreg [dreg:$0x3];
	s2 =	smul.u32 $0x1A, s2  }
0x5: {  	s29 =	simm.s32 $0x1;
	s30 =	simm.s32 $0x18700;
	s31 =	simm.s32 $0x4  }
0x6: {  	s0 =	ssub.s32 $0x2, s0;
	s8 =	sshrl.u32 s2, $0x5;
	s6 =	sand.u32 $0x18, s2  }
0x7: {  	s13 =	sshrl.u32 s0, $0x1;
	s9 =	sshrl.u32 s6, $0x3;
	s7 =	smul.u32 $0x30E000, s8  }
0x8: {  	s1 =	rddreg [dreg:$0x0];
	s0 =	ssub.s32 s0, s13;
	s10 =	smul.u32 $0xC3800, s9  }
0x9: {  	s11 =	sshll.u32 s2, $0x7;
	s6 =	simm.s32 $0x0;
	s22 =	sshll.u32 s8, $0xC  }
0xa: {  	[smem:$0x7FF] =	sst s6;
	s7 =	sadd.s32 s7, s10;
	s10 =	sand.u32 $0x300, s11  }
0xb: {  	s23 =	sshll.u32 s9, $0xA;
	_ =	strace $0x80000047;
	s12 =	sor.u32 s10, s7  }
0xc: {  	s7 =	sadd.s32 $0x400, s4;
	s14 =	sadd.s32 $0x18800, s12;
	s15 =	sshrl.u32 s12, $0x3  }
0xd: {  	s13 =	sadd.s32 $0x31000, s12;
	s17 =	sadd.s32 $0x49800, s12;
	s18 =	sadd.s32 $0x61C00, s12  }
0xe: {  	s19 =	sadd.s32 $0x7A400, s12;
	s24 =	sadd.s32 $0x92C00, s12;
	s25 =	sadd.s32 $0xAB400, s12  }
0xf: {  	s4 =	sshrl.u32 s14, $0x3;
	s11 =	sadd.s32 s3, s15;
	s16 =	sshrl.u32 s13, $0x3  }
0x10: {  	s21 =	sshrl.u32 s19, $0x3;
	s26 =	sshrl.u32 s24, $0x3;
	s28 =	sshrl.u32 s25, $0x3  }
0x11: {  	s19 =	simm.s32 $0x400;
	[dreg:$0x5] =	wrdreg s11;
	s4 =	sadd.s32 s3, s4  }
0x12: {  	s11 =	sshrl.u32 s18, $0x3;
	[dreg:$0x6] =	wrdreg s4;
	s4 =	sadd.s32 s3, s16  }
0x13: {  	s8 =	sadd.s32 s3, s26;
	[dreg:$0x7] =	wrdreg s4;
	s4 =	sshrl.u32 s17, $0x3  }
0x14: {  	s15 =	sadd.s32 s3, s28;
	[dreg:$0xb] =	wrdreg s8;
	s4 =	sadd.s32 s3, s4  }
0x15: {  	s18 =	simm.s32 $0x80;
	[dreg:$0x8] =	wrdreg s4;
	s4 =	sadd.s32 s3, s21  }
0x16: {  	s20 =	sadd.s32 s3, s11;
	[dreg:$0xa] =	wrdreg s4;
	s4 =	sor.u32 s22, s23  }
0x17: {  	[dreg:$0x9] =	wrdreg s20;
	s17 =	smax.u32 s0, $0x1;
	s4 =	sor.u32 s10, s4  }
0x18: {  	s0 =	simm.s32 $0x3;
	s20 =	simm.s32 $0x0;
	s4 =	sshrl.u32 s4, $0x3  }
0x19: {  	s23 =	simm.s32 $0xC380;
	s16 =	sadd.s32 s7, s4;
	s4 =	simm.s32 $0x2  }
.LBB2_1:
0x1a: {  	s8 =	rddreg [dreg:$0x5]  }
0x1b: {  	[tilespmem:s6], [sflag:$0x1] =	stream.strided.gather [hbm4b:s8+s18], $0x3100, s19, s18, $0x38;
	[tilespmem:$0x1B700] =	vst v63  }
0x1c: {  	s28 =	rddreg [dreg:$0x6];
	s9 =	simm.s32 $0x3100  }
0x1d: {  	[tilespmem:s9], [sflag:$0x1] =	stream.strided.gather [hbm4b:s28+s18], $0x3100, s19, s18, $0x38;
	[tilespmem:$0x1B700] =	vst v63  }
0x1e: {  	s10 =	rddreg [dreg:$0x7];
	s11 =	simm.s32 $0x6200  }
0x1f: {  	[tilespmem:s11], [sflag:$0x1] =	stream.strided.gather [hbm4b:s10+s18], $0x3100, s19, s18, $0x38;
	[tilespmem:$0x1B700] =	vst v63  }
0x20: {  	s12 =	rddreg [dreg:$0x8];
	s13 =	simm.s32 $0x9300  }
0x21: {  	[tilespmem:s13], [sflag:$0x1] =	stream.strided.gather [hbm4b:s12+s18], $0x3080, s19, s18, $0x38;
	[tilespmem:$0x1B700] =	vst v63  }
0x22: {  	s14 =	rddreg [dreg:$0x9]  }
0x23: {  	[tilespmem:s23], [sflag:$0x2] =	stream.strided.gather [hbm4b:s14+s18], $0x3100, s19, s18, $0x38;
	[tilespmem:$0x1B700] =	vst v63  }
0x24: {  	s21 =	rddreg [dreg:$0xa];
	s22 =	simm.s32 $0xF480  }
0x25: {  	[tilespmem:s22], [sflag:$0x2] =	stream.strided.gather [hbm4b:s21+s18], $0x3100, s19, s18, $0x38;
	[tilespmem:$0x1B700] =	vst v63  }
0x26: {  	s24 =	rddreg [dreg:$0xb];
	s25 =	simm.s32 $0x12580  }
0x27: {  	[tilespmem:s25], [sflag:$0x2] =	stream.strided.gather [hbm4b:s24+s18], $0x3100, s19, s18, $0x38;
	[tilespmem:$0x1B700] =	vst v63  }
0x28: {  	s26 =	simm.s32 $0x15680  }
0x29: {  	[tilespmem:s26], [sflag:$0x2] =	stream.strided.gather [hbm4b:s15+s18], $0x3000, s19, s18, $0x38;
	[tilespmem:$0x1B700] =	vst v63  }
0x2a: {  	p0 =	por $0x0, $0x0;
	s8 =	simm.s32 $0x0;
	s28 =	simm.s32 $0x18680  }
0x2b: {  	[tilespmem:s28], [sflag:$0x2] =	stream.linear.gather [hbm4b:s16+s6], $0x80, $0x38;
	[tilespmem:$0x1B700] =	vst v63  }
.LBB2_3:
0x2c: {  	s21 =	sadd.s32 s2, s8  }
0x2d: {  	p1 =	seq.s32 s8, $0x0;
	s9 =	sand.u32 $0x1F, s21  }
0x2e: {  	p2 =	sne.s32 @!p1 s9, $0x0  }
0x2f: {  	p1 =	por p1, !p2  }
0x30: {  	s9 =	sshrl.u32 @p1 s21, $0x1  }
0x31: {  	s22 =	sshll.u32 s21, $0x4;
	s9 =	sand.u32 @p1 $0x70, s9  }
0x32: {  	s10 =	sand.u32 @p1 $0xFFFF000, s22;
	s9 =	sadd.s32 @p1 s1, s9  }
0x33: {  	s9 =	sadd.s32 @p1 s10, s9  }
0x34: {  	[tilespmem:s30], [sflag:$0x4] =	stream.strided.gather @p1 [hbm4b:s9+s18], $0x1000, s19, s18, $0x38;
	[tilespmem:$0x1B700] =	vst v63  }
0x35: {  	_ =	swait.ge @p1 [sflag:s31], $0x1000  }
0x36: {  	[sflag:s31] =	ssyncset.done @p1 $0x0  }
0x37: {  	[sflag:s31] =	ssyncadd.s32 @p1 $0xFFFFF000;
	p1 =	slt.u32 s8, $0x2  }
0x38: {  	s9 =	simm.s32 @!p1 $0x3  }
0x39: {  	_ =	swait.ge @!p1 [sflag:s9], $0x1000  }
0x3a: {  	[sflag:s9] =	ssyncset.done @!p1 $0x0  }
0x3b: {  	[sflag:s9] =	ssyncadd.s32 @!p1 $0xFFFFF000  }
0x3c: {  	_ =	swait.ge [sflag:s29], $0x3100  }
0x3d: {  	[sflag:s29] =	ssyncset.done $0x0  }
0x3e: {  	[sflag:s29] =	ssyncadd.s32 $0xFFFFCF00  }
0x3f: {  	_ =	swait.ge [sflag:s29], $0x3100  }
0x40: {  	[sflag:s29] =	ssyncset.done $0x0  }
0x41: {  	[sflag:s29] =	ssyncadd.s32 $0xFFFFCF00  }
0x42: {  	_ =	swait.ge [sflag:s29], $0x3100  }
0x43: {  	s9 =	simm.s32 $0x1;
	[sflag:s29] =	ssyncset.done $0x0  }
0x44: {  	s9 =	simm.s32 @!p0 $0x0;
	[sflag:s29] =	ssyncadd.s32 $0xFFFFCF00  }
0x45: {  	s10 =	simm.s32 $0x18740;
	s9 =	sshll.u32 s9, $0x7;
	_ =	swait.ge [sflag:s29], $0x3080  }
0x46: {  	s24 =	sor.u32 $0x19700, s9;
	s25 =	sor.u32 $0x19740, s9;
	[sflag:s29] =	ssyncset.done $0x0  }
0x47: {  	s9 =	simm.s32 $0xFFFFFFF8;
	s11 =	smov.u32 s25;
	[sflag:s29] =	ssyncadd.s32 $0xFFFFCF80  }
.LBB2_4:
0x48: {  	v0 =	vld [tilespmem:s10+$0xFFFFFFC0];
	_ =	sdelay $0x4  }
0x49: {  	vm0 =	vlt.s32 v0, $0xC37F  }
0x4a: {  	v0 =	vnsel vm0, $0xC37F, v0;
	_ =	sdelay $0x4  }
0x4b: {  	v0 =	vld.idx.msk [tilespmem:v0+s6+$0x0], $0xffff;
	_ =	sdelay $0x4  }
0x4c: {  	[tilespmem:s11+$0xFFFFFFC0] =	vst v0  }
0x4d: {  	v0 =	vld [tilespmem:s10+$0xFFFFFFD0];
	_ =	sdelay $0x4  }
0x4e: {  	vm9 =	vlt.s32 v0, $0xC37F  }
0x4f: {  	v0 =	vnsel vm9, $0xC37F, v0;
	_ =	sdelay $0x4  }
0x50: {  	v0 =	vld.idx.msk [tilespmem:v0+s6+$0x0], $0xffff;
	_ =	sdelay $0x4  }
0x51: {  	[tilespmem:s11+$0xFFFFFFD0] =	vst v0  }
0x52: {  	v0 =	vld [tilespmem:s10+$0xFFFFFFE0];
	_ =	sdelay $0x4  }
0x53: {  	vm10 =	vlt.s32 v0, $0xC37F  }
0x54: {  	v0 =	vnsel vm10, $0xC37F, v0;
	_ =	sdelay $0x4  }
0x55: {  	v0 =	vld.idx.msk [tilespmem:v0+s6+$0x0], $0xffff;
	_ =	sdelay $0x4  }
0x56: {  	[tilespmem:s11+$0xFFFFFFE0] =	vst v0  }
0x57: {  	v0 =	vld [tilespmem:s10+$0xFFFFFFF0];
	_ =	sdelay $0x4  }
0x58: {  	vm11 =	vlt.s32 v0, $0xC37F  }
0x59: {  	v0 =	vnsel vm11, $0xC37F, v0;
	_ =	sdelay $0x4  }
0x5a: {  	v0 =	vld.idx.msk [tilespmem:v0+s6+$0x0], $0xffff;
	_ =	sdelay $0x4  }
0x5b: {  	[tilespmem:s11+$0xFFFFFFF0] =	vst v0  }
0x5c: {  	v0 =	vld [tilespmem:s10+$0x0];
	_ =	sdelay $0x4  }
0x5d: {  	vm12 =	vlt.s32 v0, $0xC37F  }
0x5e: {  	v0 =	vnsel vm12, $0xC37F, v0;
	_ =	sdelay $0x4  }
0x5f: {  	v0 =	vld.idx.msk [tilespmem:v0+s6+$0x0], $0xffff;
	_ =	sdelay $0x4  }
0x60: {  	[tilespmem:s11+$0x0] =	vst v0  }
0x61: {  	v0 =	vld [tilespmem:s10+$0x10];
	_ =	sdelay $0x4  }
0x62: {  	vm13 =	vlt.s32 v0, $0xC37F  }
0x63: {  	v0 =	vnsel vm13, $0xC37F, v0;
	_ =	sdelay $0x4  }
0x64: {  	v0 =	vld.idx.msk [tilespmem:v0+s6+$0x0], $0xffff;
	_ =	sdelay $0x4  }
0x65: {  	[tilespmem:s11+$0x10] =	vst v0  }
0x66: {  	v0 =	vld [tilespmem:s10+$0x20];
	_ =	sdelay $0x4  }
0x67: {  	vm14 =	vlt.s32 v0, $0xC37F  }
0x68: {  	v0 =	vnsel vm14, $0xC37F, v0;
	_ =	sdelay $0x4  }
0x69: {  	v0 =	vld.idx.msk [tilespmem:v0+s6+$0x0], $0xffff;
	_ =	sdelay $0x4  }
0x6a: {  	[tilespmem:s11+$0x20] =	vst v0  }
0x6b: {  	v0 =	vld [tilespmem:s10+$0x30];
	_ =	sdelay $0x4  }
0x6c: {  	vm15 =	vlt.s32 v0, $0xC37F  }
0x6d: {  	v0 =	vnsel vm15, $0xC37F, v0;
	_ =	sdelay $0x3  }
0x6e: {  	s9 =	sadd.s32 $0x8, s9  }
0x6f: {  	p1 =	slt.u32 s9, $0xF8;
	v0 =	vld.idx.msk [tilespmem:v0+s6+$0x0], $0xffff  }
.Ltmp0:
0x70: {  	_ = 	snop;
	(pc) =	sbr.rel @p1 .LBB2_4-.Ltmp0, $2  }
0x71: {  	_ =	sdelay $0x2  }
0x72: {  	s10 =	sadd.s32 $0x80, s10;
	[tilespmem:s11+$0x30] =	vst v0;
	s11 =	sadd.s32 $0x100, s11  }
0x73: {  	p1 =	seq.s32 s8, $0x19  }
0x74: {  	s9 =	sadd.s32 @!p1 $0x1, s21  }
0x75: {  	s26 =	sshrl.u32 @!p1 s9, $0x5;
	s10 =	sshrl.u32 @!p1 s9, $0x3  }
0x76: {  	s28 =	sand.u32 @!p1 $0x3, s10;
	s10 =	smul.u32 @!p1 $0x30E000, s26  }
0x77: {  	s11 =	smul.u32 @!p1 $0xC3800, s28  }
0x78: {  	s9 =	sshll.u32 @!p1 s9, $0x7  }
0x79: {  	s9 =	sand.u32 @!p1 $0x380, s9;
	s10 =	sadd.s32 @!p1 s10, s11  }
0x7a: {  	s10 =	sor.u32 @!p1 s9, s10  }
0x7b: {  	s12 =	simm.s32 @!p1 $0x80;
	s11 =	sshrl.u32 @!p1 s10, $0x3  }
0x7c: {  	s13 =	simm.s32 @!p1 $0x400;
	s14 =	simm.s32 @!p1 $0x0;
	s11 =	sadd.s32 @!p1 s3, s11  }
0x7d: {  	[tilespmem:s14], [sflag:$0x1] =	stream.strided.gather @!p1 [hbm4b:s11+s12], $0x3100, s13, s12, $0x38;
	[tilespmem:$0x1B700] =	vst v63  }
0x7e: {  	s11 =	sadd.s32 @!p1 $0x18800, s10  }
0x7f: {  	s11 =	sshrl.u32 @!p1 s11, $0x3  }
0x80: {  	s14 =	simm.s32 @!p1 $0x3100;
	s11 =	sadd.s32 @!p1 s3, s11  }
0x81: {  	[tilespmem:s14], [sflag:$0x1] =	stream.strided.gather @!p1 [hbm4b:s11+s12], $0x3100, s13, s12, $0x38;
	[tilespmem:$0x1B700] =	vst v63  }
0x82: {  	s11 =	sadd.s32 @!p1 $0x31000, s10  }
0x83: {  	s11 =	sshrl.u32 @!p1 s11, $0x3  }
0x84: {  	s14 =	simm.s32 @!p1 $0x6200;
	s11 =	sadd.s32 @!p1 s3, s11  }
0x85: {  	[tilespmem:s14], [sflag:$0x1] =	stream.strided.gather @!p1 [hbm4b:s11+s12], $0x3100, s13, s12, $0x38;
	[tilespmem:$0x1B700] =	vst v63  }
0x86: {  	s11 =	sadd.s32 @!p1 $0x49800, s10  }
0x87: {  	s11 =	sshrl.u32 @!p1 s11, $0x3  }
0x88: {  	s14 =	simm.s32 @!p1 $0x9300;
	s11 =	sadd.s32 @!p1 s3, s11  }
0x89: {  	[tilespmem:s14], [sflag:$0x1] =	stream.strided.gather @!p1 [hbm4b:s11+s12], $0x3080, s13, s12, $0x38;
	[tilespmem:$0x1B700] =	vst v63  }
0x8a: {  	_ =	swait.ge [sflag:s4], $0x3100  }
0x8b: {  	[sflag:s4] =	ssyncset.done $0x0  }
0x8c: {  	[sflag:s4] =	ssyncadd.s32 $0xFFFFCF00  }
0x8d: {  	_ =	swait.ge [sflag:s4], $0x3100  }
0x8e: {  	[sflag:s4] =	ssyncset.done $0x0  }
0x8f: {  	[sflag:s4] =	ssyncadd.s32 $0xFFFFCF00  }
0x90: {  	_ =	swait.ge [sflag:s4], $0x3100  }
0x91: {  	[sflag:s4] =	ssyncset.done $0x0  }
0x92: {  	[sflag:s4] =	ssyncadd.s32 $0xFFFFCF00  }
0x93: {  	_ =	swait.ge [sflag:s4], $0x3000  }
0x94: {  	[sflag:s4] =	ssyncset.done $0x0  }
0x95: {  	[sflag:s4] =	ssyncadd.s32 $0xFFFFD000  }
0x96: {  	_ =	swait.ge [sflag:s4], $0x80  }
0x97: {  	s8 =	sadd.s32 $0x1, s8;
	[sflag:s4] =	ssyncset.done $0x0  }
0x98: {  	s11 =	simm.s32 $0xFFFFFFF8;
	s12 =	simm.s32 $0x18740;
	[sflag:s4] =	ssyncadd.s32 $0xFFFFFF80  }
.LBB2_6:
0x99: {  	v0 =	vld [tilespmem:s12+$0xFFFFFFC0];
	_ =	sdelay $0x4  }
0x9a: {  	v1 =	vadd.s32 $0xFFFF3C80, v0  }
0x9b: {  	vm0 =	vgt.s32 v1, $0x0  }
0x9c: {  	v1 =	vnsel vm0, $0x0, v1;
	_ =	sdelay $0x3  }
0x9d: {  	v2 =	vld [tilespmem:s25+$0xFFFFFFC0]  }
0x9e: {  	v1 =	vld.idx.msk [tilespmem:v1+s23+$0x0], $0xffff;
	_ =	sdelay $0x3  }
0x9f: {  	vm13 =	vgt.s32 v0, $0xC37F  }
0xa0: {  	v0 =	vsel vm13, v1, v2  }
0xa1: {  	[tilespmem:s25+$0xFFFFFFC0] =	vst v0  }
0xa2: {  	v0 =	vld [tilespmem:s12+$0xFFFFFFD0];
	_ =	sdelay $0x4  }
0xa3: {  	v50 =	vadd.s32 $0xFFFF3C80, v0  }
0xa4: {  	vm14 =	vgt.s32 v50, $0x0  }
0xa5: {  	v1 =	vnsel vm14, $0x0, v50;
	_ =	sdelay $0x3  }
0xa6: {  	v51 =	vld [tilespmem:s25+$0xFFFFFFD0]  }
0xa7: {  	v1 =	vld.idx.msk [tilespmem:v1+s23+$0x0], $0xffff;
	_ =	sdelay $0x3  }
0xa8: {  	vm15 =	vgt.s32 v0, $0xC37F  }
0xa9: {  	v0 =	vsel vm15, v1, v51  }
0xaa: {  	[tilespmem:s25+$0xFFFFFFD0] =	vst v0  }
0xab: {  	v0 =	vld [tilespmem:s12+$0xFFFFFFE0];
	_ =	sdelay $0x4  }
0xac: {  	v52 =	vadd.s32 $0xFFFF3C80, v0  }
0xad: {  	vm4 =	vgt.s32 v52, $0x0  }
0xae: {  	v1 =	vnsel vm4, $0x0, v52;
	_ =	sdelay $0x3  }
0xaf: {  	v53 =	vld [tilespmem:s25+$0xFFFFFFE0]  }
0xb0: {  	v1 =	vld.idx.msk [tilespmem:v1+s23+$0x0], $0xffff;
	_ =	sdelay $0x3  }
0xb1: {  	vm5 =	vgt.s32 v0, $0xC37F  }
0xb2: {  	v0 =	vsel vm5, v1, v53  }
0xb3: {  	[tilespmem:s25+$0xFFFFFFE0] =	vst v0  }
0xb4: {  	v0 =	vld [tilespmem:s12+$0xFFFFFFF0];
	_ =	sdelay $0x4  }
0xb5: {  	v54 =	vadd.s32 $0xFFFF3C80, v0  }
0xb6: {  	vm6 =	vgt.s32 v54, $0x0  }
0xb7: {  	v1 =	vnsel vm6, $0x0, v54;
	_ =	sdelay $0x3  }
0xb8: {  	v55 =	vld [tilespmem:s25+$0xFFFFFFF0]  }
0xb9: {  	v1 =	vld.idx.msk [tilespmem:v1+s23+$0x0], $0xffff;
	_ =	sdelay $0x3  }
0xba: {  	vm7 =	vgt.s32 v0, $0xC37F  }
0xbb: {  	v0 =	vsel vm7, v1, v55  }
0xbc: {  	[tilespmem:s25+$0xFFFFFFF0] =	vst v0  }
0xbd: {  	v0 =	vld [tilespmem:s12+$0x0];
	_ =	sdelay $0x4  }
0xbe: {  	v56 =	vadd.s32 $0xFFFF3C80, v0  }
0xbf: {  	vm8 =	vgt.s32 v56, $0x0  }
0xc0: {  	v1 =	vnsel vm8, $0x0, v56;
	_ =	sdelay $0x3  }
0xc1: {  	v57 =	vld [tilespmem:s25+$0x0]  }
0xc2: {  	v1 =	vld.idx.msk [tilespmem:v1+s23+$0x0], $0xffff;
	_ =	sdelay $0x3  }
0xc3: {  	vm9 =	vgt.s32 v0, $0xC37F  }
0xc4: {  	v0 =	vsel vm9, v1, v57  }
0xc5: {  	[tilespmem:s25+$0x0] =	vst v0  }
0xc6: {  	v0 =	vld [tilespmem:s12+$0x10];
	_ =	sdelay $0x4  }
0xc7: {  	v58 =	vadd.s32 $0xFFFF3C80, v0  }
0xc8: {  	vm10 =	vgt.s32 v58, $0x0  }
0xc9: {  	v1 =	vnsel vm10, $0x0, v58;
	_ =	sdelay $0x3  }
0xca: {  	v59 =	vld [tilespmem:s25+$0x10]  }
0xcb: {  	v1 =	vld.idx.msk [tilespmem:v1+s23+$0x0], $0xffff;
	_ =	sdelay $0x3  }
0xcc: {  	vm11 =	vgt.s32 v0, $0xC37F  }
0xcd: {  	v0 =	vsel vm11, v1, v59  }
0xce: {  	[tilespmem:s25+$0x10] =	vst v0  }
0xcf: {  	v0 =	vld [tilespmem:s12+$0x20];
	_ =	sdelay $0x4  }
0xd0: {  	v60 =	vadd.s32 $0xFFFF3C80, v0  }
0xd1: {  	vm12 =	vgt.s32 v60, $0x0  }
0xd2: {  	v1 =	vnsel vm12, $0x0, v60;
	_ =	sdelay $0x3  }
0xd3: {  	v61 =	vld [tilespmem:s25+$0x20]  }
0xd4: {  	v1 =	vld.idx.msk [tilespmem:v1+s23+$0x0], $0xffff;
	_ =	sdelay $0x3  }
0xd5: {  	vm13 =	vgt.s32 v0, $0xC37F  }
0xd6: {  	v0 =	vsel vm13, v1, v61  }
0xd7: {  	[tilespmem:s25+$0x20] =	vst v0  }
0xd8: {  	v0 =	vld [tilespmem:s12+$0x30];
	_ =	sdelay $0x4  }
0xd9: {  	v62 =	vadd.s32 $0xFFFF3C80, v0  }
0xda: {  	vm14 =	vgt.s32 v62, $0x0  }
0xdb: {  	v1 =	vnsel vm14, $0x0, v62;
	_ =	sdelay $0x3  }
0xdc: {  	v63 =	vld [tilespmem:s25+$0x30]  }
0xdd: {  	s11 =	sadd.s32 $0x8, s11;
	v1 =	vld.idx.msk [tilespmem:v1+s23+$0x0], $0xffff  }
0xde: {  	p2 =	slt.u32 s11, $0xF8  }
.Ltmp1:
0xdf: {  	_ = 	snop;
	(pc) =	sbr.rel @p2 .LBB2_6-.Ltmp1, $4  }
0xe0: {  	_ = 	snop  }
0xe1: {  	vm15 =	vgt.s32 v0, $0xC37F  }
0xe2: {  	v0 =	vsel vm15, v1, v63  }
0xe3: {  	s12 =	sadd.s32 $0x80, s12;
	[tilespmem:s25+$0x30] =	vst v0;
	s25 =	sadd.s32 $0x100, s25  }
0xe4: {  	s11 =	sadd.s32 @!p1 $0x61C00, s10  }
0xe5: {  	s12 =	simm.s32 @!p1 $0x80;
	s11 =	sshrl.u32 @!p1 s11, $0x3  }
0xe6: {  	s13 =	simm.s32 @!p1 $0x400;
	s14 =	simm.s32 @!p1 $0xC380;
	s11 =	sadd.s32 @!p1 s3, s11  }
0xe7: {  	[tilespmem:s14], [sflag:$0x2] =	stream.strided.gather @!p1 [hbm4b:s11+s12], $0x3100, s13, s12, $0x38;
	[tilespmem:$0x1B700] =	vst v63  }
0xe8: {  	s11 =	sadd.s32 @!p1 $0x7A400, s10  }
0xe9: {  	s11 =	sshrl.u32 @!p1 s11, $0x3  }
0xea: {  	s14 =	simm.s32 @!p1 $0xF480;
	s11 =	sadd.s32 @!p1 s3, s11  }
0xeb: {  	[tilespmem:s14], [sflag:$0x2] =	stream.strided.gather @!p1 [hbm4b:s11+s12], $0x3100, s13, s12, $0x38;
	[tilespmem:$0x1B700] =	vst v63  }
0xec: {  	s11 =	sadd.s32 @!p1 $0x92C00, s10  }
0xed: {  	s10 =	sadd.s32 @!p1 $0xAB400, s10;
	s11 =	sshrl.u32 @!p1 s11, $0x3  }
0xee: {  	s14 =	simm.s32 @!p1 $0x12580;
	s10 =	sshrl.u32 @!p1 s10, $0x3;
	s11 =	sadd.s32 @!p1 s3, s11  }
0xef: {  	[tilespmem:s14], [sflag:$0x2] =	stream.strided.gather @!p1 [hbm4b:s11+s12], $0x3100, s13, s12, $0x38;
	[tilespmem:$0x1B700] =	vst v63  }
0xf0: {  	s10 =	sadd.s32 @!p1 s3, s10;
	s11 =	simm.s32 @!p1 $0x15680  }
0xf1: {  	[tilespmem:s11], [sflag:$0x2] =	stream.strided.gather @!p1 [hbm4b:s10+s12], $0x3000, s13, s12, $0x38;
	[tilespmem:$0x1B700] =	vst v63  }
0xf2: {  	s10 =	sshll.u32 @!p1 s26, $0xC;
	s11 =	sshll.u32 @!p1 s28, $0xA  }
0xf3: {  	s10 =	sor.u32 @!p1 s10, s11  }
0xf4: {  	s9 =	sor.u32 @!p1 s9, s10  }
0xf5: {  	s26 =	sshll.u32 s21, $0x9;
	s28 =	sand.u32 $0x70, s22;
	s9 =	sshrl.u32 @!p1 s9, $0x3  }
0xf6: {  	s11 =	simm.s32 @!p1 $0x18680;
	s10 =	simm.s32 @!p1 $0x0;
	s9 =	sadd.s32 @!p1 s7, s9  }
0xf7: {  	[tilespmem:s11], [sflag:$0x2] =	stream.linear.gather @!p1 [hbm4b:s9+s10], $0x80, $0x38;
	[tilespmem:$0x1B700] =	vst v63  }
0xf8: {  	s9 =	sand.u32 $0xFFFF000, s26;
	s10 =	sadd.s32 s5, s28  }
0xf9: {  	s9 =	sadd.s32 s9, s10  }
0xfa: {  	s11 =	sadd.s32 $0x100, s24;
	s10 =	simm.s32 $0x80;
	s12 =	sadd.s32 $0x0, s9  }
.LBB2_8:
0xfb: {  	[hbm4b:s12+s6] =	stream.linear.scatter [tilespmem:s24], [sflag:$0x3], $0x80, $0x38;
	[tilespmem:$0x1B700] =	vst v63  }
0xfc: {  	s12 =	smov.u32 s10;
	s24 =	smov.u32 s11;
	p1 =	seq.s32 s10, $0xF80  }
.Ltmp2:
0xfd: {  	s10 =	sadd.s32 $0x80, s10;
	(pc) =	sbr.rel @!p1 .LBB2_8-.Ltmp2, $2  }
0xfe: {  	_ =	sdelay $0x2  }
0xff: {  	s11 =	sadd.s32 $0x100, s11;
	s12 =	sadd.s32 s12, s9  }
0x100: {  	[hbm4b:s12+s6] =	stream.linear.scatter [tilespmem:s24], [sflag:$0x3], $0x80, $0x38;
	[tilespmem:$0x1B700] =	vst v63  }
0x101: {  	p1 =	seq.s32 s8, $0x1A  }
.Ltmp3:
0x102: {  	_ = 	snop;
	(pc) =	sbr.rel @!p1 .LBB2_3-.Ltmp3, $2  }
0x103: {  	_ =	sdelay $0x2  }
0x104: {  	p0 =	por !p0, !p0  }
0x105: {  	s20 =	sadd.s32 $0x1, s20  }
0x106: {  	_ =	swait.ge [sflag:s0], $0x1000;
	p0 =	sne.s32 s20, s17  }
.Ltmp4:
0x107: {  	[sflag:s0] =	ssyncset.done $0x0;
	(pc) =	sbr.rel @p0 .LBB2_1-.Ltmp4, $4  }
0x108: {  	[sflag:s0] =	ssyncadd.s32 $0xFFFFF000  }
0x109: {  	_ =	swait.ge [sflag:s0], $0x1000  }
0x10a: {  	[sflag:s0] =	ssyncset.done $0x0  }
0x10b: {  	[sflag:s0] =	ssyncadd.s32 $0xFFFFF000  }
0x10c: {  	_ =	sfence.sel $0x180000  }
0x10d: {  	[bflag:$0x0] =	sbarrier.arrive $0xFFFF  }
0x10e: {  	_ =	strace $0x90000047  }
0x10f: {  	s0 =	stileid.u32;
	[bflag:$0x2] =	sbarrier.arrive $0xFFFF  }
0x110: {  	p0 =	sne.s32 s0, $0x0;
	s0 =	rddreg [dreg:$0x4]  }
0x111: {  	s0 =	sadd.s32 @!p0 $0x100000, s0  }
0x112: {  	[sflag:s0] =	ssyncadd.tile.s32 @!p0 $0x1;
	_ =	shalt  }
.Lfunc_end2:
_tile_overlayer_lowered:
.L_overlay_start_2:
0x113: {  	(tag) =	ssettag $0x2  }
0x114: {  	s0 =	rddreg [dreg:$0x0];
	s2 =	stileid.u32  }
0x115: {  	s1 =	rddreg [dreg:$0x1];
	p0 =	sne.s32 s2, $0x0  }
0x116: {  	s3 =	rddreg [dreg:$0x2];
	[bflag:$0x3] =	sbarrier.arrive $0xFFFF;
	s2 =	simm.s32 @!p0 $0x1C04  }
0x117: {  	[timem:s3], [sflag:s2] =	dma.local @!p0 [hbm:s0], s1  }
0x118: {  	s0 =	simm.s32 @!p0 $0x4  }
0x119: {  	_ =	swait.ge @!p0 [sflag:s0], s1  }
0x11a: {  	s1 =	ssub.s32 @!p0 $0x0, s1;
	[sflag:s0] =	ssyncset.done @!p0 $0x0  }
0x11b: {  	[sflag:s0] =	ssyncadd.s32 @!p0 s1  }
0x11c: {  	[bflag:$0x3] =	sbarrier.arrive $0xFFFF  }
0x11d: {  	_ =	shalt  }

</sc_bundles>
